<compile_context>
chip_gen: v7x
topology: tpu7x:2x2x1
jax: 0.10.2.dev20260603
libtpu: 0.0.44.dev20260713+nightly
codegen_flags: <defaults>
</compile_context>

<pallas_src>
import jax
import jax.numpy as jnp
from jax.experimental import pallas as pl
from jax.experimental.pallas import tpu as pltpu
from jax.experimental.pallas import tpu_sc as plsc

EMBED_DIM = 64
RANK_DIM = 8
SCALING = 16.0 / 8.0
GATHER_WINDOW = 256
OUT_BATCH = 256


def _tc_m_stack(a_t, b_t):

    def body(at_ref, bt_ref, m_ref):
        eye = (jax.lax.broadcasted_iota(jnp.int32, (EMBED_DIM, EMBED_DIM), 0)
               == jax.lax.broadcasted_iota(
                   jnp.int32, (EMBED_DIM, EMBED_DIM), 1)).astype(jnp.float32)
        m = eye + SCALING * jnp.dot(at_ref[...], bt_ref[...],
                                    preferred_element_type=jnp.float32)
        m_ref[...] = jnp.concatenate([m, m], axis=0)

    return pl.pallas_call(
        body,
        out_shape=jax.ShapeDtypeStruct((2 * EMBED_DIM, EMBED_DIM),
                                       jnp.float32),
    )(a_t, b_t)


def _sc_gather(table_wide, idx_half):
    n = idx_half.shape[0]
    width = table_wide.shape[1]
    indices = idx_half.reshape(1, n)
    mesh = plsc.VectorSubcoreMesh(core_axis_name="core",
                                  subcore_axis_name="subcore")

    @pl.kernel(out_type=jax.ShapeDtypeStruct((n, width), table_wide.dtype),
               mesh=mesh)
    def gather_kernel(tab_hbm, i_hbm, o_hbm):
        def body(i_vmem, o_vmem):
            pltpu.sync_copy(tab_hbm.at[i_vmem.at[0]], o_vmem)

        pltpu.emit_pipeline(
            body,
            grid=(n // GATHER_WINDOW,),
            in_specs=[pl.BlockSpec((1, GATHER_WINDOW), lambda i: (0, i))],
            out_specs=[pl.BlockSpec((GATHER_WINDOW, width),
                                    lambda i: (i, 0))],
            core_axis_name=("core", "subcore"),
            dimension_semantics=(pltpu.PARALLEL,),
        )(i_hbm, o_hbm)

    return gather_kernel(table_wide, indices)


def _tc_select_lora(g_wide, par_t, m_stack, bsz, seq):
    rows_per_block = OUT_BATCH * seq
    par_cols = rows_per_block // 128

    def body(g_ref, p_ref, m_ref, o_ref):
        gb = g_ref[...]
        parts = []
        for j in range(par_cols):
            lo, hi = j * 128, (j + 1) * 128
            p = p_ref[0, :, j:j + 1]
            mask = jnp.concatenate(
                [jnp.broadcast_to(1.0 - p, (128, EMBED_DIM)),
                 jnp.broadcast_to(p, (128, EMBED_DIM))], axis=1)
            parts.append(gb[lo:hi] * mask)
        sel = jnp.concatenate(parts, axis=0)
        out = jnp.dot(sel, m_ref[...], preferred_element_type=jnp.float32)
        o_ref[...] = out.reshape(OUT_BATCH, seq, EMBED_DIM)

    return pl.pallas_call(
        body,
        grid=(bsz // OUT_BATCH,),
        in_specs=[
            pl.BlockSpec((rows_per_block, 2 * EMBED_DIM), lambda i: (i, 0)),
            pl.BlockSpec((1, 128, par_cols), lambda i: (i, 0, 0)),
            pl.BlockSpec((2 * EMBED_DIM, EMBED_DIM), lambda i: (0, 0)),
        ],
        out_specs=pl.BlockSpec((OUT_BATCH, seq, EMBED_DIM),
                               lambda i: (i, 0, 0)),
        out_shape=jax.ShapeDtypeStruct((bsz, seq, EMBED_DIM), jnp.float32),
    )(g_wide, par_t, m_stack)


def kernel(x, table, lora_A, lora_B):
    bsz, seq = x.shape
    n = bsz * seq
    par_cols = OUT_BATCH * seq // 128
    idx = x.reshape(-1).astype(jnp.int32)
    par_t = ((idx & 1).astype(jnp.float32)
             .reshape(n // 128, 128).T
             .reshape(128, bsz // OUT_BATCH, par_cols)
             .transpose(1, 0, 2))
    m_stack = _tc_m_stack(lora_A.T, lora_B.T)
    table_wide = table.reshape(table.shape[0] // 2, 2 * EMBED_DIM)
    g_wide = _sc_gather(table_wide, idx >> 1)
    return _tc_select_lora(g_wide, par_t, m_stack, bsz, seq)

# --- scband reference (transcript-rebuilt; emitter-appended) ---
"""Pipeline reference for scband-lo-raembedding-74388833567051 (READ-ONLY COPY).

The authoritative reference and input builder live on the scoring server;
editing this copy changes nothing except your own understanding.
"""

import jax, jax.numpy as jnp
import numpy as np

NUM_EMBEDDINGS = 1000000
EMBEDDING_DIM = 64
RANK = 8
ALPHA = 16.0


def setup_inputs(seed: int = 0) -> dict:
    key = jax.random.key(seed)
    k_idx, k_tab, k_a = jax.random.split(key, 3)
    x = jax.random.randint(k_idx, (4096, 50), 0, NUM_EMBEDDINGS, dtype=jnp.int64 if jax.config.jax_enable_x64 else jnp.int32)
    table = jax.random.normal(k_tab, (NUM_EMBEDDINGS, EMBEDDING_DIM), dtype=jnp.float32)
    lora_A = jax.random.normal(k_a, (RANK, EMBEDDING_DIM), dtype=jnp.float32) * 0.01
    lora_B = jnp.zeros((EMBEDDING_DIM, RANK), dtype=jnp.float32)
    return {"x": x, "table": table, "lora_A": lora_A, "lora_B": lora_B}


def reference(x, table, lora_A, lora_B):
    # original = Embedding lookup (gather)
    original = jnp.take(table, x, axis=0)  # [B, L, D]
    # F.linear(original, lora_B @ lora_A) = original @ (lora_B @ lora_A).T
    W = lora_B @ lora_A  # [D, D]
    lora_contrib = original @ W.T  # [B, L, D]
    scaling = ALPHA / RANK
    return original + lora_contrib * scaling

if __name__ == "__main__":
    import jax
    _d = setup_inputs()
    print(jax.jit(kernel)(*tuple(_d.values())))

</pallas_src>

<mosaic_0001>
#map = affine_map<(d0, d1) -> (0, 0)>
module attributes {stable_mosaic.version = 14 : i64} {
  func.func @gather_kernel(%arg0: i32, %arg1: i32, %arg2: memref<500000x128xf32, #tpu.memory_space<hbm>>, %arg3: memref<1x204800xi32, #tpu.memory_space<hbm>>, %arg4: memref<204800x128xf32, #tpu.memory_space<hbm>>) attributes {dimension_semantics = [#tpu.dimension_semantics<core_parallel>, #tpu.dimension_semantics<subcore_parallel>], iteration_bounds = array<i64: 2, 16>, scalar_prefetch = 0 : i64, scratch_operands = 0 : i64, tpu.core_type = #tpu.core_type<sc_vector_subcore>, window_params = [{transform_indices = #map}, {transform_indices = #map}, {transform_indices = #map}]} {
    %mul3A = arith.constant 1 : i32
    %mul3A_0 = arith.muli %arg1, %mul3A : i32
    %add3A = arith.constant 0 : i32
    %add3A_1 = arith.addi %add3A, %mul3A_0 : i32
    %mul3A_2 = arith.constant 16 : i32
    %mul3A_3 = arith.muli %arg0, %mul3A_2 : i32
    %add3A_4 = arith.addi %add3A_1, %mul3A_3 : i32
    %mul3A_5 = arith.constant 25 : i32
    %mul3A_6 = arith.muli %add3A_4, %mul3A_5 : i32
    "tpu.region"() ({
      %run_scoped3A = memref.alloca() : memref<2x1x256xi32, #tpu.memory_space<vmem>>
      %run_scoped3A_7 = tpu.sem_alloc : memref<2x!tpu.dma_semaphore, #tpu.memory_space<semaphore_mem>>
      %run_scoped3A_8 = memref.alloca() : memref<2x256x128xf32, #tpu.memory_space<vmem>>
      %run_scoped3A_9 = tpu.sem_alloc : memref<2x!tpu.dma_semaphore, #tpu.memory_space<semaphore_mem>>
      %add3A_10 = arith.constant 0 : i32
      %add3A_11 = arith.addi %add3A_10, %mul3A_6 : i32
      %select_n3A = arith.constant true
      %select_n3A_12 = arith.constant 0 : i32
      %select_n3A_13 = arith.constant -1 : i32
      %select_n3A_14 = arith.select %select_n3A, %select_n3A_13, %select_n3A_12 : i32
      %eq3A = arith.constant -1 : i32
      %eq3A_15 = arith.cmpi eq, %select_n3A_14, %eq3A : i32
      %select_n3A_16 = arith.constant 24 : i32
      %select_n3A_17 = arith.select %eq3A_15, %select_n3A_16, %select_n3A_14 : i32
      %add3A_18 = arith.addi %select_n3A_17, %mul3A_6 : i32
      %select_n3A_19 = arith.constant true
      %select_n3A_20 = arith.constant 0 : i32
      %select_n3A_21 = arith.constant 1 : i32
      %select_n3A_22 = arith.select %select_n3A_19, %select_n3A_21, %select_n3A_20 : i32
      %eq3A_23 = arith.constant 25 : i32
      %eq3A_24 = arith.cmpi eq, %select_n3A_22, %eq3A_23 : i32
      %select_n3A_25 = arith.constant 0 : i32
      %select_n3A_26 = arith.select %eq3A_24, %select_n3A_25, %select_n3A_22 : i32
      %add3A_27 = arith.addi %select_n3A_26, %mul3A_6 : i32
      %add3A_28 = arith.constant 1 : i32
      %add3A_29 = arith.addi %select_n3A_26, %add3A_28 : i32
      %select_n3A_30 = arith.constant true
      %select_n3A_31 = arith.select %select_n3A_30, %add3A_29, %select_n3A_26 : i32
      %eq3A_32 = arith.constant 25 : i32
      %eq3A_33 = arith.cmpi eq, %select_n3A_31, %eq3A_32 : i32
      %select_n3A_34 = arith.constant 0 : i32
      %select_n3A_35 = arith.select %eq3A_33, %select_n3A_34, %select_n3A_31 : i32
      %add3A_36 = arith.addi %select_n3A_35, %mul3A_6 : i32
      "tpu.trace_start"() <{level = 10 : i32, message = "ep_initialize_0"}> : () -> ()
      %rem3A = arith.constant 0 : i32
      %rem3A_37 = arith.constant 2 : i32
      %rem3A_38 = arith.remui %rem3A, %rem3A_37 : i32
      %mul3A_39 = arith.constant 256 : i32
      %mul3A_40 = arith.muli %mul3A_39, %add3A_11 : i32
      %dma_start3A = arith.constant 0 : i32
      %dma_start3A_41 = arith.constant 0 : i32
      %dma_start3A_42 = tpu.memref_slice %run_scoped3A[%rem3A_38, %dma_start3A, %dma_start3A_41] : memref<2x1x256xi32, #tpu.memory_space<vmem>> -> memref<1x1x256xi32, #tpu.memory_space<vmem>>
      %dma_start3A_43 = tpu.memref_squeeze %dma_start3A_42 : memref<1x1x256xi32, #tpu.memory_space<vmem>> -> memref<1x256xi32, #tpu.memory_space<vmem>>
      %dma_start3A_44 = arith.constant 0 : i32
      %dma_start3A_45 = tpu.memref_slice %arg3[%dma_start3A_44, %mul3A_40] : memref<1x204800xi32, #tpu.memory_space<hbm>> -> memref<1x256xi32, #tpu.memory_space<hbm>>
      %dma_start3A_46 = tpu.memref_slice %run_scoped3A_7[%rem3A_38] : memref<2x!tpu.dma_semaphore, #tpu.memory_space<semaphore_mem>> -> memref<1x!tpu.dma_semaphore, #tpu.memory_space<semaphore_mem>>
      %dma_start3A_47 = tpu.memref_squeeze %dma_start3A_46 : memref<1x!tpu.dma_semaphore, #tpu.memory_space<semaphore_mem>> -> memref<!tpu.dma_semaphore, #tpu.memory_space<semaphore_mem>>
      %dma_start3A_48 = arith.constant 0 : i32
      %dma_start3A_49 = arith.constant 0 : i32
      %dma_start3A_50 = tpu.memref_slice %run_scoped3A[%rem3A_38, %dma_start3A_48, %dma_start3A_49] : memref<2x1x256xi32, #tpu.memory_space<vmem>> -> memref<1x1x256xi32, #tpu.memory_space<vmem>>
      %dma_start3A_51 = tpu.memref_squeeze %dma_start3A_50 : memref<1x1x256xi32, #tpu.memory_space<vmem>> -> memref<1x256xi32, #tpu.memory_space<vmem>>
      %dma_start3A_52 = arith.constant 0 : i32
      %dma_start3A_53 = tpu.memref_slice %arg3[%dma_start3A_52, %mul3A_40] : memref<1x204800xi32, #tpu.memory_space<hbm>> -> memref<1x256xi32, #tpu.memory_space<hbm>>
      tpu.enqueue_dma source(%dma_start3A_53 : memref<1x256xi32, #tpu.memory_space<hbm>>) target(%dma_start3A_51 : memref<1x256xi32, #tpu.memory_space<vmem>>) target_semaphore(%dma_start3A_47 : memref<!tpu.dma_semaphore, #tpu.memory_space<semaphore_mem>>)
      %add3A_54 = arith.constant 0 : i32
      %add3A_55 = arith.constant 1 : i32
      %add3A_56 = arith.addi %add3A_54, %add3A_55 : i32
      %select_n3A_57 = arith.constant true
      %select_n3A_58 = arith.constant 0 : i32
      %select_n3A_59 = arith.select %select_n3A_57, %add3A_56, %select_n3A_58 : i32
      "tpu.trace_stop"() : () -> ()
      %scan3A = arith.constant 0 : i32
      %scan3A_60 = arith.constant 0 : i32
      %scan3A_61 = arith.constant 0 : i32
      %scan3A_62 = arith.constant 0 : i32
      %scan3A_63 = arith.constant 0 : i32
      %scan3A_64 = arith.constant 25 : i32
      %scan3A_65 = arith.addi %scan3A_63, %scan3A_64 : i32
      %scan3A_66 = arith.constant 1 : i32
      %scan3A_67:5 = scf.for %scan3A_121 = %scan3A_63 to %scan3A_65 step %scan3A_66 iter_args(%scan3A_122 = %select_n3A_59, %scan3A_123 = %scan3A, %scan3A_124 = %scan3A_60, %scan3A_125 = %scan3A_61, %scan3A_126 = %scan3A_62) -> (i32, i32, i32, i32, i32)  : i32 {
        %eq3A_127 = arith.constant 0 : i32
        %eq3A_128 = arith.cmpi eq, %scan3A_121, %eq3A_127 : i32
        %eq3A_129 = arith.constant 24 : i32
        %eq3A_130 = arith.cmpi eq, %scan3A_121, %eq3A_129 : i32
        %add3A_131 = arith.addi %scan3A_126, %mul3A_6 : i32
        %sub3A_132 = arith.constant 1 : i32
        %sub3A_133 = arith.subi %scan3A_126, %sub3A_132 : i32
        %select_n3A_134 = arith.constant true
        %select_n3A_135 = arith.select %select_n3A_134, %sub3A_133, %scan3A_126 : i32
        %eq3A_136 = arith.constant -1 : i32
        %eq3A_137 = arith.cmpi eq, %select_n3A_135, %eq3A_136 : i32
        %select_n3A_138 = arith.constant 24 : i32
        %select_n3A_139 = arith.select %eq3A_137, %select_n3A_138, %select_n3A_135 : i32
        %add3A_140 = arith.addi %select_n3A_139, %mul3A_6 : i32
        %add3A_141 = arith.constant 1 : i32
        %add3A_142 = arith.addi %scan3A_126, %add3A_141 : i32
        %select_n3A_143 = arith.constant true
        %select_n3A_144 = arith.select %select_n3A_143, %add3A_142, %scan3A_126 : i32
        %eq3A_145 = arith.constant 25 : i32
        %eq3A_146 = arith.cmpi eq, %select_n3A_144, %eq3A_145 : i32
        %select_n3A_147 = arith.constant 0 : i32
        %select_n3A_148 = arith.select %eq3A_146, %select_n3A_147, %select_n3A_144 : i32
        %add3A_149 = arith.addi %select_n3A_148, %mul3A_6 : i32
        %add3A_150 = arith.constant 1 : i32
        %add3A_151 = arith.addi %select_n3A_148, %add3A_150 : i32
        %select_n3A_152 = arith.constant true
        %select_n3A_153 = arith.select %select_n3A_152, %add3A_151, %select_n3A_148 : i32
        %eq3A_154 = arith.constant 25 : i32
        %eq3A_155 = arith.cmpi eq, %select_n3A_153, %eq3A_154 : i32
        %select_n3A_156 = arith.constant 0 : i32
        %select_n3A_157 = arith.select %eq3A_155, %select_n3A_156, %select_n3A_153 : i32
        %add3A_158 = arith.addi %select_n3A_157, %mul3A_6 : i32
        %ne3A = arith.cmpi ne, %add3A_131, %add3A_149 : i32
        %or3A = arith.constant false
        %or3A_159 = arith.ori %or3A, %ne3A : i1
        %ge3A = arith.constant 24 : i32
        %ge3A_160 = arith.cmpi sge, %scan3A_121, %ge3A : i32
        %not3A = arith.constant true
        %not3A_161 = arith.xori %ge3A_160, %not3A : i1
        %and3A = arith.andi %or3A_159, %not3A_161 : i1
        %convert_element_type3A = arith.extui %and3A : i1 to i32
        %cond3A = arith.constant 0 : i32
        %cond3A_162 = arith.cmpi ne, %convert_element_type3A, %cond3A : i32
        scf.if %cond3A_162 {
          "tpu.trace_start"() <{level = 10 : i32, message = "ep_copy_in"}> : () -> ()
          %rem3A_264 = arith.constant 2 : i32
          %rem3A_265 = arith.remui %scan3A_122, %rem3A_264 : i32
          %mul3A_266 = arith.constant 256 : i32
          %mul3A_267 = arith.muli %mul3A_266, %add3A_149 : i32
          %dma_start3A_268 = arith.constant 0 : i32
          %dma_start3A_269 = arith.constant 0 : i32
          %dma_start3A_270 = tpu.memref_slice %run_scoped3A[%rem3A_265, %dma_start3A_268, %dma_start3A_269] : memref<2x1x256xi32, #tpu.memory_space<vmem>> -> memref<1x1x256xi32, #tpu.memory_space<vmem>>
          %dma_start3A_271 = tpu.memref_squeeze %dma_start3A_270 : memref<1x1x256xi32, #tpu.memory_space<vmem>> -> memref<1x256xi32, #tpu.memory_space<vmem>>
          %dma_start3A_272 = arith.constant 0 : i32
          %dma_start3A_273 = tpu.memref_slice %arg3[%dma_start3A_272, %mul3A_267] : memref<1x204800xi32, #tpu.memory_space<hbm>> -> memref<1x256xi32, #tpu.memory_space<hbm>>
          %dma_start3A_274 = tpu.memref_slice %run_scoped3A_7[%rem3A_265] : memref<2x!tpu.dma_semaphore, #tpu.memory_space<semaphore_mem>> -> memref<1x!tpu.dma_semaphore, #tpu.memory_space<semaphore_mem>>
          %dma_start3A_275 = tpu.memref_squeeze %dma_start3A_274 : memref<1x!tpu.dma_semaphore, #tpu.memory_space<semaphore_mem>> -> memref<!tpu.dma_semaphore, #tpu.memory_space<semaphore_mem>>
          %dma_start3A_276 = arith.constant 0 : i32
          %dma_start3A_277 = arith.constant 0 : i32
          %dma_start3A_278 = tpu.memref_slice %run_scoped3A[%rem3A_265, %dma_start3A_276, %dma_start3A_277] : memref<2x1x256xi32, #tpu.memory_space<vmem>> -> memref<1x1x256xi32, #tpu.memory_space<vmem>>
          %dma_start3A_279 = tpu.memref_squeeze %dma_start3A_278 : memref<1x1x256xi32, #tpu.memory_space<vmem>> -> memref<1x256xi32, #tpu.memory_space<vmem>>
          %dma_start3A_280 = arith.constant 0 : i32
          %dma_start3A_281 = tpu.memref_slice %arg3[%dma_start3A_280, %mul3A_267] : memref<1x204800xi32, #tpu.memory_space<hbm>> -> memref<1x256xi32, #tpu.memory_space<hbm>>
          tpu.enqueue_dma source(%dma_start3A_281 : memref<1x256xi32, #tpu.memory_space<hbm>>) target(%dma_start3A_279 : memref<1x256xi32, #tpu.memory_space<vmem>>) target_semaphore(%dma_start3A_275 : memref<!tpu.dma_semaphore, #tpu.memory_space<semaphore_mem>>)
          "tpu.trace_stop"() : () -> ()
        } else {
        }
        %and3A_163 = arith.constant true
        %and3A_164 = arith.andi %and3A, %and3A_163 : i1
        %add3A_165 = arith.constant 1 : i32
        %add3A_166 = arith.addi %scan3A_122, %add3A_165 : i32
        %select_n3A_167 = arith.select %and3A_164, %add3A_166, %scan3A_122 : i32
        %ne3A_168 = arith.cmpi ne, %add3A_131, %add3A_149 : i32
        %or3A_169 = arith.constant false
        %or3A_170 = arith.ori %or3A_169, %ne3A_168 : i1
        %or3A_171 = arith.constant false
        %or3A_172 = arith.ori %or3A_170, %or3A_171 : i1
        %ge3A_173 = arith.constant 24 : i32
        %ge3A_174 = arith.cmpi sge, %scan3A_121, %ge3A_173 : i32
        %not3A_175 = arith.constant true
        %not3A_176 = arith.xori %ge3A_174, %not3A_175 : i1
        %and3A_177 = arith.andi %or3A_172, %not3A_176 : i1
        %ne3A_178 = arith.cmpi ne, %add3A_131, %add3A_140 : i32
        %or3A_179 = arith.constant false
        %or3A_180 = arith.ori %or3A_179, %ne3A_178 : i1
        %or3A_181 = arith.ori %or3A_180, %eq3A_128 : i1
        %convert_element_type3A_182 = arith.extui %or3A_181 : i1 to i32
        %cond3A_183 = arith.constant 0 : i32
        %cond3A_184 = arith.cmpi ne, %convert_element_type3A_182, %cond3A_183 : i32
        scf.if %cond3A_184 {
          "tpu.trace_start"() <{level = 10 : i32, message = "ep_wait_in"}> : () -> ()
          %mul3A_264 = arith.constant 256 : i32
          %mul3A_265 = arith.muli %mul3A_264, %add3A_131 : i32
          %rem3A_266 = arith.constant 2 : i32
          %rem3A_267 = arith.remui %scan3A_123, %rem3A_266 : i32
          %dma_wait3A_268 = arith.constant 0 : i32
          %dma_wait3A_269 = arith.constant 0 : i32
          %dma_wait3A_270 = tpu.memref_slice %run_scoped3A[%rem3A_267, %dma_wait3A_268, %dma_wait3A_269] : memref<2x1x256xi32, #tpu.memory_space<vmem>> -> memref<1x1x256xi32, #tpu.memory_space<vmem>>
          %dma_wait3A_271 = tpu.memref_squeeze %dma_wait3A_270 : memref<1x1x256xi32, #tpu.memory_space<vmem>> -> memref<1x256xi32, #tpu.memory_space<vmem>>
          %dma_wait3A_272 = arith.constant 0 : i32
          %dma_wait3A_273 = tpu.memref_slice %arg3[%dma_wait3A_272, %mul3A_265] : memref<1x204800xi32, #tpu.memory_space<hbm>> -> memref<1x256xi32, #tpu.memory_space<hbm>>
          %dma_wait3A_274 = tpu.memref_slice %run_scoped3A_7[%rem3A_267] : memref<2x!tpu.dma_semaphore, #tpu.memory_space<semaphore_mem>> -> memref<1x!tpu.dma_semaphore, #tpu.memory_space<semaphore_mem>>
          %dma_wait3A_275 = tpu.memref_squeeze %dma_wait3A_274 : memref<1x!tpu.dma_semaphore, #tpu.memory_space<semaphore_mem>> -> memref<!tpu.dma_semaphore, #tpu.memory_space<semaphore_mem>>
          %dma_wait3A_276 = arith.constant 0 : i32
          %dma_wait3A_277 = arith.constant 0 : i32
          %dma_wait3A_278 = tpu.memref_slice %run_scoped3A[%rem3A_267, %dma_wait3A_276, %dma_wait3A_277] : memref<2x1x256xi32, #tpu.memory_space<vmem>> -> memref<1x1x256xi32, #tpu.memory_space<vmem>>
          %dma_wait3A_279 = tpu.memref_squeeze %dma_wait3A_278 : memref<1x1x256xi32, #tpu.memory_space<vmem>> -> memref<1x256xi32, #tpu.memory_space<vmem>>
          %dma_wait3A_280 = arith.constant 0 : i32
          %dma_wait3A_281 = tpu.memref_slice %arg3[%dma_wait3A_280, %mul3A_265] : memref<1x204800xi32, #tpu.memory_space<hbm>> -> memref<1x256xi32, #tpu.memory_space<hbm>>
          tpu.wait_dma2 semaphore(%dma_wait3A_275 : memref<!tpu.dma_semaphore, #tpu.memory_space<semaphore_mem>>) src(%dma_wait3A_281 : memref<1x256xi32, #tpu.memory_space<hbm>>) dst(%dma_wait3A_279 : memref<1x256xi32, #tpu.memory_space<vmem>>)
          "tpu.trace_stop"() : () -> ()
        } else {
        }
        %ne3A_185 = arith.cmpi ne, %add3A_131, %add3A_140 : i32
        %or3A_186 = arith.constant false
        %or3A_187 = arith.ori %or3A_186, %ne3A_185 : i1
        %or3A_188 = arith.constant false
        %or3A_189 = arith.ori %or3A_187, %or3A_188 : i1
        %or3A_190 = arith.ori %or3A_189, %eq3A_128 : i1
        %convert_element_type3A_191 = arith.extui %or3A_190 : i1 to i32
        %cond3A_192 = arith.constant 0 : i32
        %cond3A_193 = arith.cmpi ne, %convert_element_type3A_191, %cond3A_192 : i32
        scf.if %cond3A_193 {
        } else {
        }
        %rem3A_194 = arith.constant 2 : i32
        %rem3A_195 = arith.remui %scan3A_123, %rem3A_194 : i32
        %rem3A_196 = arith.constant 2 : i32
        %rem3A_197 = arith.remui %scan3A_124, %rem3A_196 : i32
        %run_scoped3A_198 = arith.constant 0 : i32
        "tpu.trace_start"() <{level = 10 : i32, message = "ep_run_kernel"}> : () -> ()
        "tpu.region"() ({
          %run_scoped3A_264 = tpu.sem_alloc : memref<!tpu.dma_semaphore, #tpu.memory_space<semaphore_mem>>
          %dma_start3A_265 = arith.constant 0 : i32
          %dma_start3A_266 = arith.constant 0 : i32
          %dma_start3A_267 = tpu.memref_slice %run_scoped3A_8[%rem3A_197, %dma_start3A_265, %dma_start3A_266] : memref<2x256x128xf32, #tpu.memory_space<vmem>> -> memref<1x256x128xf32, #tpu.memory_space<vmem>>
          %dma_start3A_268 = tpu.memref_squeeze %dma_start3A_267 : memref<1x256x128xf32, #tpu.memory_space<vmem>> -> memref<256x128xf32, #tpu.memory_space<vmem>>
          %dma_start3A_269 = arith.constant 0 : i32
          %dma_start3A_270 = arith.constant 0 : i32
          %dma_start3A_271 = tpu.memref_slice %run_scoped3A[%rem3A_195, %dma_start3A_269, %dma_start3A_270] : memref<2x1x256xi32, #tpu.memory_space<vmem>> -> memref<1x1x256xi32, #tpu.memory_space<vmem>>
          %dma_start3A_272 = tpu.memref_squeeze %dma_start3A_271 : memref<1x1x256xi32, #tpu.memory_space<vmem>> -> memref<1x256xi32, #tpu.memory_space<vmem>>
          %dma_start3A_273 = arith.constant 0 : i32
          %dma_start3A_274 = tpu.memref_slice %dma_start3A_272[%run_scoped3A_198, %dma_start3A_273] : memref<1x256xi32, #tpu.memory_space<vmem>> -> memref<1x256xi32, #tpu.memory_space<vmem>>
          %dma_start3A_275 = tpu.memref_squeeze %dma_start3A_274 : memref<1x256xi32, #tpu.memory_space<vmem>> -> memref<256xi32, #tpu.memory_space<vmem>>
          %dma_start3A_276 = arith.constant 0 : i32
          %dma_start3A_277 = arith.constant 0 : i32
          %dma_start3A_278 = tpu.memref_slice %arg2[%dma_start3A_276, %dma_start3A_277] : memref<500000x128xf32, #tpu.memory_space<hbm>> -> memref<500000x128xf32, #tpu.memory_space<hbm>>
          tpu.enqueue_indirect_dma source(%dma_start3A_278 : memref<500000x128xf32, #tpu.memory_space<hbm>>) target(%dma_start3A_268 : memref<256x128xf32, #tpu.memory_space<vmem>>) offsets(%dma_start3A_275 : memref<256xi32, #tpu.memory_space<vmem>>) semaphore(%run_scoped3A_264 : memref<!tpu.dma_semaphore, #tpu.memory_space<semaphore_mem>>)
          %dma_wait3A_279 = arith.constant 0 : i32
          %dma_wait3A_280 = arith.constant 0 : i32
          %dma_wait3A_281 = tpu.memref_slice %run_scoped3A_8[%rem3A_197, %dma_wait3A_279, %dma_wait3A_280] : memref<2x256x128xf32, #tpu.memory_space<vmem>> -> memref<1x256x128xf32, #tpu.memory_space<vmem>>
          %dma_wait3A_282 = tpu.memref_squeeze %dma_wait3A_281 : memref<1x256x128xf32, #tpu.memory_space<vmem>> -> memref<256x128xf32, #tpu.memory_space<vmem>>
          %dma_wait3A_283 = arith.constant 0 : i32
          %dma_wait3A_284 = arith.constant 0 : i32
          %dma_wait3A_285 = tpu.memref_slice %run_scoped3A[%rem3A_195, %dma_wait3A_283, %dma_wait3A_284] : memref<2x1x256xi32, #tpu.memory_space<vmem>> -> memref<1x1x256xi32, #tpu.memory_space<vmem>>
          %dma_wait3A_286 = tpu.memref_squeeze %dma_wait3A_285 : memref<1x1x256xi32, #tpu.memory_space<vmem>> -> memref<1x256xi32, #tpu.memory_space<vmem>>
          %dma_wait3A_287 = arith.constant 0 : i32
          %dma_wait3A_288 = tpu.memref_slice %dma_wait3A_286[%run_scoped3A_198, %dma_wait3A_287] : memref<1x256xi32, #tpu.memory_space<vmem>> -> memref<1x256xi32, #tpu.memory_space<vmem>>
          %dma_wait3A_289 = tpu.memref_squeeze %dma_wait3A_288 : memref<1x256xi32, #tpu.memory_space<vmem>> -> memref<256xi32, #tpu.memory_space<vmem>>
          %dma_wait3A_290 = arith.constant 0 : i32
          %dma_wait3A_291 = arith.constant 0 : i32
          %dma_wait3A_292 = tpu.memref_slice %arg2[%dma_wait3A_290, %dma_wait3A_291] : memref<500000x128xf32, #tpu.memory_space<hbm>> -> memref<500000x128xf32, #tpu.memory_space<hbm>>
          tpu.wait_indirect_dma semaphore(%run_scoped3A_264 : memref<!tpu.dma_semaphore, #tpu.memory_space<semaphore_mem>>) src(%dma_wait3A_292 : memref<500000x128xf32, #tpu.memory_space<hbm>>) dst(%dma_wait3A_282 : memref<256x128xf32, #tpu.memory_space<vmem>>)
          tpu.yield
        }) : () -> ()
        "tpu.trace_stop"() : () -> ()
        %ne3A_199 = arith.cmpi ne, %add3A_131, %add3A_149 : i32
        %or3A_200 = arith.constant false
        %or3A_201 = arith.ori %or3A_200, %ne3A_199 : i1
        %or3A_202 = arith.ori %or3A_201, %eq3A_130 : i1
        %convert_element_type3A_203 = arith.extui %or3A_202 : i1 to i32
        %cond3A_204 = arith.constant 0 : i32
        %cond3A_205 = arith.cmpi ne, %convert_element_type3A_203, %cond3A_204 : i32
        scf.if %cond3A_205 {
        } else {
        }
        %and3A_206 = arith.constant false
        %and3A_207 = arith.andi %or3A_202, %and3A_206 : i1
        %ne3A_208 = arith.cmpi ne, %add3A_131, %add3A_149 : i32
        %or3A_209 = arith.constant false
        %or3A_210 = arith.ori %or3A_209, %ne3A_208 : i1
        %or3A_211 = arith.constant false
        %or3A_212 = arith.ori %or3A_210, %or3A_211 : i1
        %or3A_213 = arith.ori %or3A_212, %eq3A_130 : i1
        %convert_element_type3A_214 = arith.extui %or3A_213 : i1 to i32
        %cond3A_215 = arith.constant 0 : i32
        %cond3A_216 = arith.cmpi ne, %convert_element_type3A_214, %cond3A_215 : i32
        scf.if %cond3A_216 {
          "tpu.trace_start"() <{level = 10 : i32, message = "ep_copy_out"}> : () -> ()
          %rem3A_264 = arith.constant 2 : i32
          %rem3A_265 = arith.remui %scan3A_124, %rem3A_264 : i32
          %mul3A_266 = arith.constant 256 : i32
          %mul3A_267 = arith.muli %mul3A_266, %add3A_131 : i32
          %dma_start3A_268 = arith.constant 0 : i32
          %dma_start3A_269 = arith.constant 0 : i32
          %dma_start3A_270 = tpu.memref_slice %run_scoped3A_8[%rem3A_265, %dma_start3A_268, %dma_start3A_269] : memref<2x256x128xf32, #tpu.memory_space<vmem>> -> memref<1x256x128xf32, #tpu.memory_space<vmem>>
          %dma_start3A_271 = tpu.memref_squeeze %dma_start3A_270 : memref<1x256x128xf32, #tpu.memory_space<vmem>> -> memref<256x128xf32, #tpu.memory_space<vmem>>
          %dma_start3A_272 = arith.constant 0 : i32
          %dma_start3A_273 = tpu.memref_slice %arg4[%mul3A_267, %dma_start3A_272] : memref<204800x128xf32, #tpu.memory_space<hbm>> -> memref<256x128xf32, #tpu.memory_space<hbm>>
          %dma_start3A_274 = tpu.memref_slice %run_scoped3A_9[%rem3A_265] : memref<2x!tpu.dma_semaphore, #tpu.memory_space<semaphore_mem>> -> memref<1x!tpu.dma_semaphore, #tpu.memory_space<semaphore_mem>>
          %dma_start3A_275 = tpu.memref_squeeze %dma_start3A_274 : memref<1x!tpu.dma_semaphore, #tpu.memory_space<semaphore_mem>> -> memref<!tpu.dma_semaphore, #tpu.memory_space<semaphore_mem>>
          %dma_start3A_276 = arith.constant 0 : i32
          %dma_start3A_277 = tpu.memref_slice %arg4[%mul3A_267, %dma_start3A_276] : memref<204800x128xf32, #tpu.memory_space<hbm>> -> memref<256x128xf32, #tpu.memory_space<hbm>>
          %dma_start3A_278 = arith.constant 0 : i32
          %dma_start3A_279 = arith.constant 0 : i32
          %dma_start3A_280 = tpu.memref_slice %run_scoped3A_8[%rem3A_265, %dma_start3A_278, %dma_start3A_279] : memref<2x256x128xf32, #tpu.memory_space<vmem>> -> memref<1x256x128xf32, #tpu.memory_space<vmem>>
          %dma_start3A_281 = tpu.memref_squeeze %dma_start3A_280 : memref<1x256x128xf32, #tpu.memory_space<vmem>> -> memref<256x128xf32, #tpu.memory_space<vmem>>
          tpu.enqueue_dma source(%dma_start3A_281 : memref<256x128xf32, #tpu.memory_space<vmem>>) target(%dma_start3A_277 : memref<256x128xf32, #tpu.memory_space<hbm>>) target_semaphore(%dma_start3A_275 : memref<!tpu.dma_semaphore, #tpu.memory_space<semaphore_mem>>)
          "tpu.trace_stop"() : () -> ()
        } else {
        }
        %and3A_217 = arith.constant true
        %and3A_218 = arith.andi %or3A_213, %and3A_217 : i1
        %add3A_219 = arith.constant 1 : i32
        %add3A_220 = arith.addi %scan3A_124, %add3A_219 : i32
        %select_n3A_221 = arith.select %and3A_218, %add3A_220, %scan3A_124 : i32
        %ne3A_222 = arith.cmpi ne, %add3A_131, %add3A_140 : i32
        %or3A_223 = arith.constant false
        %or3A_224 = arith.ori %or3A_223, %ne3A_222 : i1
        %not3A_225 = arith.constant true
        %not3A_226 = arith.xori %eq3A_128, %not3A_225 : i1
        %and3A_227 = arith.andi %or3A_224, %not3A_226 : i1
        %convert_element_type3A_228 = arith.extui %and3A_227 : i1 to i32
        %cond3A_229 = arith.constant 0 : i32
        %cond3A_230 = arith.cmpi ne, %convert_element_type3A_228, %cond3A_229 : i32
        scf.if %cond3A_230 {
        } else {
        }
        %and3A_231 = arith.constant false
        %and3A_232 = arith.andi %and3A_227, %and3A_231 : i1
        %ne3A_233 = arith.cmpi ne, %add3A_131, %add3A_140 : i32
        %or3A_234 = arith.constant false
        %or3A_235 = arith.ori %or3A_234, %ne3A_233 : i1
        %or3A_236 = arith.constant false
        %or3A_237 = arith.ori %or3A_235, %or3A_236 : i1
        %not3A_238 = arith.constant true
        %not3A_239 = arith.xori %eq3A_128, %not3A_238 : i1
        %and3A_240 = arith.andi %or3A_237, %not3A_239 : i1
        %convert_element_type3A_241 = arith.extui %and3A_240 : i1 to i32
        %cond3A_242 = arith.constant 0 : i32
        %cond3A_243 = arith.cmpi ne, %convert_element_type3A_241, %cond3A_242 : i32
        scf.if %cond3A_243 {
          "tpu.trace_start"() <{level = 10 : i32, message = "ep_wait_out"}> : () -> ()
          %rem3A_264 = arith.constant 2 : i32
          %rem3A_265 = arith.remui %scan3A_125, %rem3A_264 : i32
          %mul3A_266 = arith.constant 256 : i32
          %mul3A_267 = arith.muli %mul3A_266, %add3A_140 : i32
          %dma_wait3A_268 = arith.constant 0 : i32
          %dma_wait3A_269 = arith.constant 0 : i32
          %dma_wait3A_270 = tpu.memref_slice %run_scoped3A_8[%rem3A_265, %dma_wait3A_268, %dma_wait3A_269] : memref<2x256x128xf32, #tpu.memory_space<vmem>> -> memref<1x256x128xf32, #tpu.memory_space<vmem>>
          %dma_wait3A_271 = tpu.memref_squeeze %dma_wait3A_270 : memref<1x256x128xf32, #tpu.memory_space<vmem>> -> memref<256x128xf32, #tpu.memory_space<vmem>>
          %dma_wait3A_272 = arith.constant 0 : i32
          %dma_wait3A_273 = tpu.memref_slice %arg4[%mul3A_267, %dma_wait3A_272] : memref<204800x128xf32, #tpu.memory_space<hbm>> -> memref<256x128xf32, #tpu.memory_space<hbm>>
          %dma_wait3A_274 = tpu.memref_slice %run_scoped3A_9[%rem3A_265] : memref<2x!tpu.dma_semaphore, #tpu.memory_space<semaphore_mem>> -> memref<1x!tpu.dma_semaphore, #tpu.memory_space<semaphore_mem>>
          %dma_wait3A_275 = tpu.memref_squeeze %dma_wait3A_274 : memref<1x!tpu.dma_semaphore, #tpu.memory_space<semaphore_mem>> -> memref<!tpu.dma_semaphore, #tpu.memory_space<semaphore_mem>>
          %dma_wait3A_276 = arith.constant 0 : i32
          %dma_wait3A_277 = tpu.memref_slice %arg4[%mul3A_267, %dma_wait3A_276] : memref<204800x128xf32, #tpu.memory_space<hbm>> -> memref<256x128xf32, #tpu.memory_space<hbm>>
          %dma_wait3A_278 = arith.constant 0 : i32
          %dma_wait3A_279 = arith.constant 0 : i32
          %dma_wait3A_280 = tpu.memref_slice %run_scoped3A_8[%rem3A_265, %dma_wait3A_278, %dma_wait3A_279] : memref<2x256x128xf32, #tpu.memory_space<vmem>> -> memref<1x256x128xf32, #tpu.memory_space<vmem>>
          %dma_wait3A_281 = tpu.memref_squeeze %dma_wait3A_280 : memref<1x256x128xf32, #tpu.memory_space<vmem>> -> memref<256x128xf32, #tpu.memory_space<vmem>>
          tpu.wait_dma2 semaphore(%dma_wait3A_275 : memref<!tpu.dma_semaphore, #tpu.memory_space<semaphore_mem>>) src(%dma_wait3A_281 : memref<256x128xf32, #tpu.memory_space<vmem>>) dst(%dma_wait3A_277 : memref<256x128xf32, #tpu.memory_space<hbm>>)
          "tpu.trace_stop"() : () -> ()
        } else {
        }
        %and3A_244 = arith.constant true
        %and3A_245 = arith.andi %and3A_240, %and3A_244 : i1
        %add3A_246 = arith.constant 1 : i32
        %add3A_247 = arith.addi %scan3A_125, %add3A_246 : i32
        %select_n3A_248 = arith.select %and3A_245, %add3A_247, %scan3A_125 : i32
        %ne3A_249 = arith.cmpi ne, %add3A_131, %add3A_149 : i32
        %or3A_250 = arith.constant false
        %or3A_251 = arith.ori %or3A_250, %ne3A_249 : i1
        %or3A_252 = arith.ori %or3A_251, %eq3A_130 : i1
        %add3A_253 = arith.constant 1 : i32
        %add3A_254 = arith.addi %scan3A_123, %add3A_253 : i32
        %select_n3A_255 = arith.select %or3A_252, %add3A_254, %scan3A_123 : i32
        %add3A_256 = arith.constant 1 : i32
        %add3A_257 = arith.addi %scan3A_126, %add3A_256 : i32
        %select_n3A_258 = arith.constant true
        %select_n3A_259 = arith.select %select_n3A_258, %add3A_257, %scan3A_126 : i32
        %eq3A_260 = arith.constant 25 : i32
        %eq3A_261 = arith.cmpi eq, %select_n3A_259, %eq3A_260 : i32
        %select_n3A_262 = arith.constant 0 : i32
        %select_n3A_263 = arith.select %eq3A_261, %select_n3A_262, %select_n3A_259 : i32
        scf.yield %select_n3A_167, %select_n3A_255, %select_n3A_221, %select_n3A_248, %select_n3A_263 : i32, i32, i32, i32, i32
      }
      %scan3A_68 = arith.constant 25 : i32
      %sub3A = arith.constant 1 : i32
      %sub3A_69 = arith.subi %scan3A_67#4, %sub3A : i32
      %select_n3A_70 = arith.constant true
      %select_n3A_71 = arith.select %select_n3A_70, %sub3A_69, %scan3A_67#4 : i32
      %eq3A_72 = arith.constant -1 : i32
      %eq3A_73 = arith.cmpi eq, %select_n3A_71, %eq3A_72 : i32
      %select_n3A_74 = arith.constant 24 : i32
      %select_n3A_75 = arith.select %eq3A_73, %select_n3A_74, %select_n3A_71 : i32
      %add3A_76 = arith.addi %select_n3A_75, %mul3A_6 : i32
      %sub3A_77 = arith.constant 1 : i32
      %sub3A_78 = arith.subi %select_n3A_75, %sub3A_77 : i32
      %select_n3A_79 = arith.constant true
      %select_n3A_80 = arith.select %select_n3A_79, %sub3A_78, %select_n3A_75 : i32
      %eq3A_81 = arith.constant -1 : i32
      %eq3A_82 = arith.cmpi eq, %select_n3A_80, %eq3A_81 : i32
      %select_n3A_83 = arith.constant 24 : i32
      %select_n3A_84 = arith.select %eq3A_82, %select_n3A_83, %select_n3A_80 : i32
      %add3A_85 = arith.addi %select_n3A_84, %mul3A_6 : i32
      %add3A_86 = arith.constant 1 : i32
      %add3A_87 = arith.addi %select_n3A_75, %add3A_86 : i32
      %select_n3A_88 = arith.constant true
      %select_n3A_89 = arith.select %select_n3A_88, %add3A_87, %select_n3A_75 : i32
      %eq3A_90 = arith.constant 25 : i32
      %eq3A_91 = arith.cmpi eq, %select_n3A_89, %eq3A_90 : i32
      %select_n3A_92 = arith.constant 0 : i32
      %select_n3A_93 = arith.select %eq3A_91, %select_n3A_92, %select_n3A_89 : i32
      %add3A_94 = arith.addi %select_n3A_93, %mul3A_6 : i32
      %add3A_95 = arith.constant 1 : i32
      %add3A_96 = arith.addi %select_n3A_93, %add3A_95 : i32
      %select_n3A_97 = arith.constant true
      %select_n3A_98 = arith.select %select_n3A_97, %add3A_96, %select_n3A_93 : i32
      %eq3A_99 = arith.constant 25 : i32
      %eq3A_100 = arith.cmpi eq, %select_n3A_98, %eq3A_99 : i32
      %select_n3A_101 = arith.constant 0 : i32
      %select_n3A_102 = arith.select %eq3A_100, %select_n3A_101, %select_n3A_98 : i32
      %add3A_103 = arith.addi %select_n3A_102, %mul3A_6 : i32
      "tpu.trace_start"() <{level = 10 : i32, message = "ep_finalize"}> : () -> ()
      %rem3A_104 = arith.constant 2 : i32
      %rem3A_105 = arith.remui %scan3A_67#3, %rem3A_104 : i32
      %mul3A_106 = arith.constant 256 : i32
      %mul3A_107 = arith.muli %mul3A_106, %add3A_76 : i32
      %dma_wait3A = arith.constant 0 : i32
      %dma_wait3A_108 = arith.constant 0 : i32
      %dma_wait3A_109 = tpu.memref_slice %run_scoped3A_8[%rem3A_105, %dma_wait3A, %dma_wait3A_108] : memref<2x256x128xf32, #tpu.memory_space<vmem>> -> memref<1x256x128xf32, #tpu.memory_space<vmem>>
      %dma_wait3A_110 = tpu.memref_squeeze %dma_wait3A_109 : memref<1x256x128xf32, #tpu.memory_space<vmem>> -> memref<256x128xf32, #tpu.memory_space<vmem>>
      %dma_wait3A_111 = arith.constant 0 : i32
      %dma_wait3A_112 = tpu.memref_slice %arg4[%mul3A_107, %dma_wait3A_111] : memref<204800x128xf32, #tpu.memory_space<hbm>> -> memref<256x128xf32, #tpu.memory_space<hbm>>
      %dma_wait3A_113 = tpu.memref_slice %run_scoped3A_9[%rem3A_105] : memref<2x!tpu.dma_semaphore, #tpu.memory_space<semaphore_mem>> -> memref<1x!tpu.dma_semaphore, #tpu.memory_space<semaphore_mem>>
      %dma_wait3A_114 = tpu.memref_squeeze %dma_wait3A_113 : memref<1x!tpu.dma_semaphore, #tpu.memory_space<semaphore_mem>> -> memref<!tpu.dma_semaphore, #tpu.memory_space<semaphore_mem>>
      %dma_wait3A_115 = arith.constant 0 : i32
      %dma_wait3A_116 = tpu.memref_slice %arg4[%mul3A_107, %dma_wait3A_115] : memref<204800x128xf32, #tpu.memory_space<hbm>> -> memref<256x128xf32, #tpu.memory_space<hbm>>
      %dma_wait3A_117 = arith.constant 0 : i32
      %dma_wait3A_118 = arith.constant 0 : i32
      %dma_wait3A_119 = tpu.memref_slice %run_scoped3A_8[%rem3A_105, %dma_wait3A_117, %dma_wait3A_118] : memref<2x256x128xf32, #tpu.memory_space<vmem>> -> memref<1x256x128xf32, #tpu.memory_space<vmem>>
      %dma_wait3A_120 = tpu.memref_squeeze %dma_wait3A_119 : memref<1x256x128xf32, #tpu.memory_space<vmem>> -> memref<256x128xf32, #tpu.memory_space<vmem>>
      tpu.wait_dma2 semaphore(%dma_wait3A_114 : memref<!tpu.dma_semaphore, #tpu.memory_space<semaphore_mem>>) src(%dma_wait3A_120 : memref<256x128xf32, #tpu.memory_space<vmem>>) dst(%dma_wait3A_116 : memref<256x128xf32, #tpu.memory_space<hbm>>)
      "tpu.trace_stop"() : () -> ()
      tpu.yield
    }) : () -> ()
    return
  }
}

module attributes {stable_mosaic.version = 14 : i64} {
  func.func @body(%arg0: memref<64x8xf32, #tpu.memory_space<vmem>>, %arg1: memref<8x64xf32, #tpu.memory_space<vmem>>, %arg2: memref<128x64xf32, #tpu.memory_space<vmem>>) attributes {dimension_semantics = [], scalar_prefetch = 0 : i64, scratch_operands = 0 : i64, tpu.core_type = #tpu.core_type<tc>} {
    %iota3A = tpu.iota {dimensions = array<i32: 0>} : vector<64x64xi32>
    %iota3A_0 = tpu.iota {dimensions = array<i32: 1>} : vector<64x64xi32>
    %eq3A = arith.cmpi eq, %iota3A, %iota3A_0 : vector<64x64xi32>
    %convert_element_type3A = arith.extui %eq3A : vector<64x64xi1> to vector<64x64xi32>
    %convert_element_type3A_1 = arith.sitofp %convert_element_type3A : vector<64x64xi32> to vector<64x64xf32>
    %get3A = arith.constant 0 : index
    %get3A_2 = arith.constant 0 : index
    %get3A_3 = vector.load %arg0[%get3A, %get3A_2] : memref<64x8xf32, #tpu.memory_space<vmem>>, vector<64x8xf32>
    %get3A_4 = arith.constant 0 : index
    %get3A_5 = arith.constant 0 : index
    %get3A_6 = vector.load %arg1[%get3A_4, %get3A_5] : memref<8x64xf32, #tpu.memory_space<vmem>>, vector<8x64xf32>
    %dot_general3A = arith.constant dense<0.000000e+00> : vector<64x64xf32>
    %dot_general3A_7 = tpu.matmul %get3A_3, %get3A_6, %dot_general3A {dimension_numbers = #tpu.dot_dimension_numbers<[1], [0], [0], [1], [0, 0, 1, 1], [], []>, transpose_lhs_hint = false} : vector<64x8xf32>, vector<8x64xf32>, vector<64x64xf32> -> vector<64x64xf32>
    %mul3A = arith.constant 2.000000e+00 : f32
    %mul3A_8 = vector.broadcast %mul3A : f32 to vector<64x64xf32>
    %mul3A_9 = arith.mulf %mul3A_8, %dot_general3A_7 : vector<64x64xf32>
    %add3A = arith.addf %convert_element_type3A_1, %mul3A_9 : vector<64x64xf32>
    %concatenate3A = tpu.concatenate %add3A, %add3A in 0 : vector<64x64xf32>, vector<64x64xf32> -> vector<128x64xf32>
    %swap3A = arith.constant 0 : index
    %swap3A_10 = arith.constant 0 : index
    %swap3A_11 = vector.load %arg2[%swap3A, %swap3A_10] : memref<128x64xf32, #tpu.memory_space<vmem>>, vector<128x64xf32>
    tpu.vector_store %arg2[%swap3A, %swap3A_10], %concatenate3A {strides = array<i32>} : memref<128x64xf32, #tpu.memory_space<vmem>>, vector<128x64xf32>,
    return
  }
}

module attributes {stable_mosaic.version = 14 : i64} {
  func.func @body(%arg0: i32, %arg1: memref<12800x128xf32, #tpu.memory_space<vmem>>, %arg2: memref<1x128x100xf32, #tpu.memory_space<vmem>>, %arg3: memref<128x64xf32, #tpu.memory_space<vmem>>, %arg4: memref<256x50x64xf32, #tpu.memory_space<vmem>>) attributes {dimension_semantics = [#tpu.dimension_semantics<arbitrary>], iteration_bounds = array<i64: 16>, scalar_prefetch = 0 : i64, scratch_operands = 0 : i64, tpu.core_type = #tpu.core_type<tc>, window_params = [{transform_indices = @transform_0, window_bounds = array<i64: 12800, 128>}, {transform_indices = @transform_1, window_bounds = array<i64: 1, 128, 100>}, {pipeline_mode = #tpu.pipeline_mode<synchronous>, transform_indices = @transform_2, window_bounds = array<i64: 128, 64>}, {transform_indices = @transform_3, window_bounds = array<i64: 256, 50, 64>}]} {
    %get3A = arith.constant 0 : index
    %get3A_0 = arith.constant 0 : index
    %get3A_1 = vector.load %arg1[%get3A, %get3A_0] : memref<12800x128xf32, #tpu.memory_space<vmem>>, vector<12800x128xf32>
    %get3A_2 = arith.constant 0 : index
    %get3A_3 = arith.constant 0 : index
    %get3A_4 = arith.constant 0 : index
    %get3A_5 = vector.load %arg2[%get3A_2, %get3A_3, %get3A_4] : memref<1x128x100xf32, #tpu.memory_space<vmem>>, vector<1x128x1xf32>
    %get3A_6 = vector.shape_cast %get3A_5 : vector<1x128x1xf32> to vector<128x1xf32>
    %sub3A = arith.constant 1.000000e+00 : f32
    %sub3A_7 = vector.broadcast %sub3A : f32 to vector<128x1xf32>
    %sub3A_8 = arith.subf %sub3A_7, %get3A_6 : vector<128x1xf32>
    %broadcast_in_dim3A = vector.shape_cast %sub3A_8 : vector<128x1xf32> to vector<128x1xf32>
    %broadcast_in_dim3A_9 = vector.broadcast %broadcast_in_dim3A : vector<128x1xf32> to vector<128x64xf32>
    %broadcast_in_dim3A_10 = vector.shape_cast %get3A_6 : vector<128x1xf32> to vector<128x1xf32>
    %broadcast_in_dim3A_11 = vector.broadcast %broadcast_in_dim3A_10 : vector<128x1xf32> to vector<128x64xf32>
    %concatenate3A = tpu.concatenate %broadcast_in_dim3A_9, %broadcast_in_dim3A_11 in 1 : vector<128x64xf32>, vector<128x64xf32> -> vector<128x128xf32>
    %slice3A = vector.extract_strided_slice %get3A_1 {offsets = [0, 0], sizes = [128, 128], strides = [1, 1]} : vector<12800x128xf32> to vector<128x128xf32>
    %mul3A = arith.mulf %slice3A, %concatenate3A : vector<128x128xf32>
    %get3A_12 = arith.constant 0 : index
    %get3A_13 = arith.constant 0 : index
    %get3A_14 = arith.constant 1 : index
    %get3A_15 = vector.load %arg2[%get3A_12, %get3A_13, %get3A_14] : memref<1x128x100xf32, #tpu.memory_space<vmem>>, vector<1x128x1xf32>
    %get3A_16 = vector.shape_cast %get3A_15 : vector<1x128x1xf32> to vector<128x1xf32>
    %sub3A_17 = arith.constant 1.000000e+00 : f32
    %sub3A_18 = vector.broadcast %sub3A_17 : f32 to vector<128x1xf32>
    %sub3A_19 = arith.subf %sub3A_18, %get3A_16 : vector<128x1xf32>
    %broadcast_in_dim3A_20 = vector.shape_cast %sub3A_19 : vector<128x1xf32> to vector<128x1xf32>
    %broadcast_in_dim3A_21 = vector.broadcast %broadcast_in_dim3A_20 : vector<128x1xf32> to vector<128x64xf32>
    %broadcast_in_dim3A_22 = vector.shape_cast %get3A_16 : vector<128x1xf32> to vector<128x1xf32>
    %broadcast_in_dim3A_23 = vector.broadcast %broadcast_in_dim3A_22 : vector<128x1xf32> to vector<128x64xf32>
    %concatenate3A_24 = tpu.concatenate %broadcast_in_dim3A_21, %broadcast_in_dim3A_23 in 1 : vector<128x64xf32>, vector<128x64xf32> -> vector<128x128xf32>
    %slice3A_25 = vector.extract_strided_slice %get3A_1 {offsets = [128, 0], sizes = [128, 128], strides = [1, 1]} : vector<12800x128xf32> to vector<128x128xf32>
    %mul3A_26 = arith.mulf %slice3A_25, %concatenate3A_24 : vector<128x128xf32>
    %get3A_27 = arith.constant 0 : index
    %get3A_28 = arith.constant 0 : index
    %get3A_29 = arith.constant 2 : index
    %get3A_30 = vector.load %arg2[%get3A_27, %get3A_28, %get3A_29] : memref<1x128x100xf32, #tpu.memory_space<vmem>>, vector<1x128x1xf32>
    %get3A_31 = vector.shape_cast %get3A_30 : vector<1x128x1xf32> to vector<128x1xf32>
    %sub3A_32 = arith.constant 1.000000e+00 : f32
    %sub3A_33 = vector.broadcast %sub3A_32 : f32 to vector<128x1xf32>
    %sub3A_34 = arith.subf %sub3A_33, %get3A_31 : vector<128x1xf32>
    %broadcast_in_dim3A_35 = vector.shape_cast %sub3A_34 : vector<128x1xf32> to vector<128x1xf32>
    %broadcast_in_dim3A_36 = vector.broadcast %broadcast_in_dim3A_35 : vector<128x1xf32> to vector<128x64xf32>
    %broadcast_in_dim3A_37 = vector.shape_cast %get3A_31 : vector<128x1xf32> to vector<128x1xf32>
    %broadcast_in_dim3A_38 = vector.broadcast %broadcast_in_dim3A_37 : vector<128x1xf32> to vector<128x64xf32>
    %concatenate3A_39 = tpu.concatenate %broadcast_in_dim3A_36, %broadcast_in_dim3A_38 in 1 : vector<128x64xf32>, vector<128x64xf32> -> vector<128x128xf32>
    %slice3A_40 = vector.extract_strided_slice %get3A_1 {offsets = [256, 0], sizes = [128, 128], strides = [1, 1]} : vector<12800x128xf32> to vector<128x128xf32>
    %mul3A_41 = arith.mulf %slice3A_40, %concatenate3A_39 : vector<128x128xf32>
    %get3A_42 = arith.constant 0 : index
    %get3A_43 = arith.constant 0 : index
    %get3A_44 = arith.constant 3 : index
    %get3A_45 = vector.load %arg2[%get3A_42, %get3A_43, %get3A_44] : memref<1x128x100xf32, #tpu.memory_space<vmem>>, vector<1x128x1xf32>
    %get3A_46 = vector.shape_cast %get3A_45 : vector<1x128x1xf32> to vector<128x1xf32>
    %sub3A_47 = arith.constant 1.000000e+00 : f32
    %sub3A_48 = vector.broadcast %sub3A_47 : f32 to vector<128x1xf32>
    %sub3A_49 = arith.subf %sub3A_48, %get3A_46 : vector<128x1xf32>
    %broadcast_in_dim3A_50 = vector.shape_cast %sub3A_49 : vector<128x1xf32> to vector<128x1xf32>
    %broadcast_in_dim3A_51 = vector.broadcast %broadcast_in_dim3A_50 : vector<128x1xf32> to vector<128x64xf32>
    %broadcast_in_dim3A_52 = vector.shape_cast %get3A_46 : vector<128x1xf32> to vector<128x1xf32>
    %broadcast_in_dim3A_53 = vector.broadcast %broadcast_in_dim3A_52 : vector<128x1xf32> to vector<128x64xf32>
    %concatenate3A_54 = tpu.concatenate %broadcast_in_dim3A_51, %broadcast_in_dim3A_53 in 1 : vector<128x64xf32>, vector<128x64xf32> -> vector<128x128xf32>
    %slice3A_55 = vector.extract_strided_slice %get3A_1 {offsets = [384, 0], sizes = [128, 128], strides = [1, 1]} : vector<12800x128xf32> to vector<128x128xf32>
    %mul3A_56 = arith.mulf %slice3A_55, %concatenate3A_54 : vector<128x128xf32>
    %get3A_57 = arith.constant 0 : index
    %get3A_58 = arith.constant 0 : index
    %get3A_59 = arith.constant 4 : index
    %get3A_60 = vector.load %arg2[%get3A_57, %get3A_58, %get3A_59] : memref<1x128x100xf32, #tpu.memory_space<vmem>>, vector<1x128x1xf32>
    %get3A_61 = vector.shape_cast %get3A_60 : vector<1x128x1xf32> to vector<128x1xf32>
    %sub3A_62 = arith.constant 1.000000e+00 : f32
    %sub3A_63 = vector.broadcast %sub3A_62 : f32 to vector<128x1xf32>
    %sub3A_64 = arith.subf %sub3A_63, %get3A_61 : vector<128x1xf32>
    %broadcast_in_dim3A_65 = vector.shape_cast %sub3A_64 : vector<128x1xf32> to vector<128x1xf32>
    %broadcast_in_dim3A_66 = vector.broadcast %broadcast_in_dim3A_65 : vector<128x1xf32> to vector<128x64xf32>
    %broadcast_in_dim3A_67 = vector.shape_cast %get3A_61 : vector<128x1xf32> to vector<128x1xf32>
    %broadcast_in_dim3A_68 = vector.broadcast %broadcast_in_dim3A_67 : vector<128x1xf32> to vector<128x64xf32>
    %concatenate3A_69 = tpu.concatenate %broadcast_in_dim3A_66, %broadcast_in_dim3A_68 in 1 : vector<128x64xf32>, vector<128x64xf32> -> vector<128x128xf32>
    %slice3A_70 = vector.extract_strided_slice %get3A_1 {offsets = [512, 0], sizes = [128, 128], strides = [1, 1]} : vector<12800x128xf32> to vector<128x128xf32>
    %mul3A_71 = arith.mulf %slice3A_70, %concatenate3A_69 : vector<128x128xf32>
    %get3A_72 = arith.constant 0 : index
    %get3A_73 = arith.constant 0 : index
    %get3A_74 = arith.constant 5 : index
    %get3A_75 = vector.load %arg2[%get3A_72, %get3A_73, %get3A_74] : memref<1x128x100xf32, #tpu.memory_space<vmem>>, vector<1x128x1xf32>
    %get3A_76 = vector.shape_cast %get3A_75 : vector<1x128x1xf32> to vector<128x1xf32>
    %sub3A_77 = arith.constant 1.000000e+00 : f32
    %sub3A_78 = vector.broadcast %sub3A_77 : f32 to vector<128x1xf32>
    %sub3A_79 = arith.subf %sub3A_78, %get3A_76 : vector<128x1xf32>
    %broadcast_in_dim3A_80 = vector.shape_cast %sub3A_79 : vector<128x1xf32> to vector<128x1xf32>
    %broadcast_in_dim3A_81 = vector.broadcast %broadcast_in_dim3A_80 : vector<128x1xf32> to vector<128x64xf32>
    %broadcast_in_dim3A_82 = vector.shape_cast %get3A_76 : vector<128x1xf32> to vector<128x1xf32>
    %broadcast_in_dim3A_83 = vector.broadcast %broadcast_in_dim3A_82 : vector<128x1xf32> to vector<128x64xf32>
    %concatenate3A_84 = tpu.concatenate %broadcast_in_dim3A_81, %broadcast_in_dim3A_83 in 1 : vector<128x64xf32>, vector<128x64xf32> -> vector<128x128xf32>
    %slice3A_85 = vector.extract_strided_slice %get3A_1 {offsets = [640, 0], sizes = [128, 128], strides = [1, 1]} : vector<12800x128xf32> to vector<128x128xf32>
    %mul3A_86 = arith.mulf %slice3A_85, %concatenate3A_84 : vector<128x128xf32>
    %get3A_87 = arith.constant 0 : index
    %get3A_88 = arith.constant 0 : index
    %get3A_89 = arith.constant 6 : index
    %get3A_90 = vector.load %arg2[%get3A_87, %get3A_88, %get3A_89] : memref<1x128x100xf32, #tpu.memory_space<vmem>>, vector<1x128x1xf32>
    %get3A_91 = vector.shape_cast %get3A_90 : vector<1x128x1xf32> to vector<128x1xf32>
    %sub3A_92 = arith.constant 1.000000e+00 : f32
    %sub3A_93 = vector.broadcast %sub3A_92 : f32 to vector<128x1xf32>
    %sub3A_94 = arith.subf %sub3A_93, %get3A_91 : vector<128x1xf32>
    %broadcast_in_dim3A_95 = vector.shape_cast %sub3A_94 : vector<128x1xf32> to vector<128x1xf32>
    %broadcast_in_dim3A_96 = vector.broadcast %broadcast_in_dim3A_95 : vector<128x1xf32> to vector<128x64xf32>
    %broadcast_in_dim3A_97 = vector.shape_cast %get3A_91 : vector<128x1xf32> to vector<128x1xf32>
    %broadcast_in_dim3A_98 = vector.broadcast %broadcast_in_dim3A_97 : vector<128x1xf32> to vector<128x64xf32>
    %concatenate3A_99 = tpu.concatenate %broadcast_in_dim3A_96, %broadcast_in_dim3A_98 in 1 : vector<128x64xf32>, vector<128x64xf32> -> vector<128x128xf32>
    %slice3A_100 = vector.extract_strided_slice %get3A_1 {offsets = [768, 0], sizes = [128, 128], strides = [1, 1]} : vector<12800x128xf32> to vector<128x128xf32>
    %mul3A_101 = arith.mulf %slice3A_100, %concatenate3A_99 : vector<128x128xf32>
    %get3A_102 = arith.constant 0 : index
    %get3A_103 = arith.constant 0 : index
    %get3A_104 = arith.constant 7 : index
    %get3A_105 = vector.load %arg2[%get3A_102, %get3A_103, %get3A_104] : memref<1x128x100xf32, #tpu.memory_space<vmem>>, vector<1x128x1xf32>
    %get3A_106 = vector.shape_cast %get3A_105 : vector<1x128x1xf32> to vector<128x1xf32>
    %sub3A_107 = arith.constant 1.000000e+00 : f32
    %sub3A_108 = vector.broadcast %sub3A_107 : f32 to vector<128x1xf32>
    %sub3A_109 = arith.subf %sub3A_108, %get3A_106 : vector<128x1xf32>
    %broadcast_in_dim3A_110 = vector.shape_cast %sub3A_109 : vector<128x1xf32> to vector<128x1xf32>
    %broadcast_in_dim3A_111 = vector.broadcast %broadcast_in_dim3A_110 : vector<128x1xf32> to vector<128x64xf32>
    %broadcast_in_dim3A_112 = vector.shape_cast %get3A_106 : vector<128x1xf32> to vector<128x1xf32>
    %broadcast_in_dim3A_113 = vector.broadcast %broadcast_in_dim3A_112 : vector<128x1xf32> to vector<128x64xf32>
    %concatenate3A_114 = tpu.concatenate %broadcast_in_dim3A_111, %broadcast_in_dim3A_113 in 1 : vector<128x64xf32>, vector<128x64xf32> -> vector<128x128xf32>
    %slice3A_115 = vector.extract_strided_slice %get3A_1 {offsets = [896, 0], sizes = [128, 128], strides = [1, 1]} : vector<12800x128xf32> to vector<128x128xf32>
    %mul3A_116 = arith.mulf %slice3A_115, %concatenate3A_114 : vector<128x128xf32>
    %get3A_117 = arith.constant 0 : index
    %get3A_118 = arith.constant 0 : index
    %get3A_119 = arith.constant 8 : index
    %get3A_120 = vector.load %arg2[%get3A_117, %get3A_118, %get3A_119] : memref<1x128x100xf32, #tpu.memory_space<vmem>>, vector<1x128x1xf32>
    %get3A_121 = vector.shape_cast %get3A_120 : vector<1x128x1xf32> to vector<128x1xf32>
    %sub3A_122 = arith.constant 1.000000e+00 : f32
    %sub3A_123 = vector.broadcast %sub3A_122 : f32 to vector<128x1xf32>
    %sub3A_124 = arith.subf %sub3A_123, %get3A_121 : vector<128x1xf32>
    %broadcast_in_dim3A_125 = vector.shape_cast %sub3A_124 : vector<128x1xf32> to vector<128x1xf32>
    %broadcast_in_dim3A_126 = vector.broadcast %broadcast_in_dim3A_125 : vector<128x1xf32> to vector<128x64xf32>
    %broadcast_in_dim3A_127 = vector.shape_cast %get3A_121 : vector<128x1xf32> to vector<128x1xf32>
    %broadcast_in_dim3A_128 = vector.broadcast %broadcast_in_dim3A_127 : vector<128x1xf32> to vector<128x64xf32>
    %concatenate3A_129 = tpu.concatenate %broadcast_in_dim3A_126, %broadcast_in_dim3A_128 in 1 : vector<128x64xf32>, vector<128x64xf32> -> vector<128x128xf32>
    %slice3A_130 = vector.extract_strided_slice %get3A_1 {offsets = [1024, 0], sizes = [128, 128], strides = [1, 1]} : vector<12800x128xf32> to vector<128x128xf32>
    %mul3A_131 = arith.mulf %slice3A_130, %concatenate3A_129 : vector<128x128xf32>
    %get3A_132 = arith.constant 0 : index
    %get3A_133 = arith.constant 0 : index
    %get3A_134 = arith.constant 9 : index
    %get3A_135 = vector.load %arg2[%get3A_132, %get3A_133, %get3A_134] : memref<1x128x100xf32, #tpu.memory_space<vmem>>, vector<1x128x1xf32>
    %get3A_136 = vector.shape_cast %get3A_135 : vector<1x128x1xf32> to vector<128x1xf32>
    %sub3A_137 = arith.constant 1.000000e+00 : f32
    %sub3A_138 = vector.broadcast %sub3A_137 : f32 to vector<128x1xf32>
    %sub3A_139 = arith.subf %sub3A_138, %get3A_136 : vector<128x1xf32>
    %broadcast_in_dim3A_140 = vector.shape_cast %sub3A_139 : vector<128x1xf32> to vector<128x1xf32>
    %broadcast_in_dim3A_141 = vector.broadcast %broadcast_in_dim3A_140 : vector<128x1xf32> to vector<128x64xf32>
    %broadcast_in_dim3A_142 = vector.shape_cast %get3A_136 : vector<128x1xf32> to vector<128x1xf32>
    %broadcast_in_dim3A_143 = vector.broadcast %broadcast_in_dim3A_142 : vector<128x1xf32> to vector<128x64xf32>
    %concatenate3A_144 = tpu.concatenate %broadcast_in_dim3A_141, %broadcast_in_dim3A_143 in 1 : vector<128x64xf32>, vector<128x64xf32> -> vector<128x128xf32>
    %slice3A_145 = vector.extract_strided_slice %get3A_1 {offsets = [1152, 0], sizes = [128, 128], strides = [1, 1]} : vector<12800x128xf32> to vector<128x128xf32>
    %mul3A_146 = arith.mulf %slice3A_145, %concatenate3A_144 : vector<128x128xf32>
    %get3A_147 = arith.constant 0 : index
    %get3A_148 = arith.constant 0 : index
    %get3A_149 = arith.constant 10 : index
    %get3A_150 = vector.load %arg2[%get3A_147, %get3A_148, %get3A_149] : memref<1x128x100xf32, #tpu.memory_space<vmem>>, vector<1x128x1xf32>
    %get3A_151 = vector.shape_cast %get3A_150 : vector<1x128x1xf32> to vector<128x1xf32>
    %sub3A_152 = arith.constant 1.000000e+00 : f32
    %sub3A_153 = vector.broadcast %sub3A_152 : f32 to vector<128x1xf32>
    %sub3A_154 = arith.subf %sub3A_153, %get3A_151 : vector<128x1xf32>
    %broadcast_in_dim3A_155 = vector.shape_cast %sub3A_154 : vector<128x1xf32> to vector<128x1xf32>
    %broadcast_in_dim3A_156 = vector.broadcast %broadcast_in_dim3A_155 : vector<128x1xf32> to vector<128x64xf32>
    %broadcast_in_dim3A_157 = vector.shape_cast %get3A_151 : vector<128x1xf32> to vector<128x1xf32>
    %broadcast_in_dim3A_158 = vector.broadcast %broadcast_in_dim3A_157 : vector<128x1xf32> to vector<128x64xf32>
    %concatenate3A_159 = tpu.concatenate %broadcast_in_dim3A_156, %broadcast_in_dim3A_158 in 1 : vector<128x64xf32>, vector<128x64xf32> -> vector<128x128xf32>
    %slice3A_160 = vector.extract_strided_slice %get3A_1 {offsets = [1280, 0], sizes = [128, 128], strides = [1, 1]} : vector<12800x128xf32> to vector<128x128xf32>
    %mul3A_161 = arith.mulf %slice3A_160, %concatenate3A_159 : vector<128x128xf32>
    %get3A_162 = arith.constant 0 : index
    %get3A_163 = arith.constant 0 : index
    %get3A_164 = arith.constant 11 : index
    %get3A_165 = vector.load %arg2[%get3A_162, %get3A_163, %get3A_164] : memref<1x128x100xf32, #tpu.memory_space<vmem>>, vector<1x128x1xf32>
    %get3A_166 = vector.shape_cast %get3A_165 : vector<1x128x1xf32> to vector<128x1xf32>
    %sub3A_167 = arith.constant 1.000000e+00 : f32
    %sub3A_168 = vector.broadcast %sub3A_167 : f32 to vector<128x1xf32>
    %sub3A_169 = arith.subf %sub3A_168, %get3A_166 : vector<128x1xf32>
    %broadcast_in_dim3A_170 = vector.shape_cast %sub3A_169 : vector<128x1xf32> to vector<128x1xf32>
    %broadcast_in_dim3A_171 = vector.broadcast %broadcast_in_dim3A_170 : vector<128x1xf32> to vector<128x64xf32>
    %broadcast_in_dim3A_172 = vector.shape_cast %get3A_166 : vector<128x1xf32> to vector<128x1xf32>
    %broadcast_in_dim3A_173 = vector.broadcast %broadcast_in_dim3A_172 : vector<128x1xf32> to vector<128x64xf32>
    %concatenate3A_174 = tpu.concatenate %broadcast_in_dim3A_171, %broadcast_in_dim3A_173 in 1 : vector<128x64xf32>, vector<128x64xf32> -> vector<128x128xf32>
    %slice3A_175 = vector.extract_strided_slice %get3A_1 {offsets = [1408, 0], sizes = [128, 128], strides = [1, 1]} : vector<12800x128xf32> to vector<128x128xf32>
    %mul3A_176 = arith.mulf %slice3A_175, %concatenate3A_174 : vector<128x128xf32>
    %get3A_177 = arith.constant 0 : index
    %get3A_178 = arith.constant 0 : index
    %get3A_179 = arith.constant 12 : index
    %get3A_180 = vector.load %arg2[%get3A_177, %get3A_178, %get3A_179] : memref<1x128x100xf32, #tpu.memory_space<vmem>>, vector<1x128x1xf32>
    %get3A_181 = vector.shape_cast %get3A_180 : vector<1x128x1xf32> to vector<128x1xf32>
    %sub3A_182 = arith.constant 1.000000e+00 : f32
    %sub3A_183 = vector.broadcast %sub3A_182 : f32 to vector<128x1xf32>
    %sub3A_184 = arith.subf %sub3A_183, %get3A_181 : vector<128x1xf32>
    %broadcast_in_dim3A_185 = vector.shape_cast %sub3A_184 : vector<128x1xf32> to vector<128x1xf32>
    %broadcast_in_dim3A_186 = vector.broadcast %broadcast_in_dim3A_185 : vector<128x1xf32> to vector<128x64xf32>
    %broadcast_in_dim3A_187 = vector.shape_cast %get3A_181 : vector<128x1xf32> to vector<128x1xf32>
    %broadcast_in_dim3A_188 = vector.broadcast %broadcast_in_dim3A_187 : vector<128x1xf32> to vector<128x64xf32>
    %concatenate3A_189 = tpu.concatenate %broadcast_in_dim3A_186, %broadcast_in_dim3A_188 in 1 : vector<128x64xf32>, vector<128x64xf32> -> vector<128x128xf32>
    %slice3A_190 = vector.extract_strided_slice %get3A_1 {offsets = [1536, 0], sizes = [128, 128], strides = [1, 1]} : vector<12800x128xf32> to vector<128x128xf32>
    %mul3A_191 = arith.mulf %slice3A_190, %concatenate3A_189 : vector<128x128xf32>
    %get3A_192 = arith.constant 0 : index
    %get3A_193 = arith.constant 0 : index
    %get3A_194 = arith.constant 13 : index
    %get3A_195 = vector.load %arg2[%get3A_192, %get3A_193, %get3A_194] : memref<1x128x100xf32, #tpu.memory_space<vmem>>, vector<1x128x1xf32>
    %get3A_196 = vector.shape_cast %get3A_195 : vector<1x128x1xf32> to vector<128x1xf32>
    %sub3A_197 = arith.constant 1.000000e+00 : f32
    %sub3A_198 = vector.broadcast %sub3A_197 : f32 to vector<128x1xf32>
    %sub3A_199 = arith.subf %sub3A_198, %get3A_196 : vector<128x1xf32>
    %broadcast_in_dim3A_200 = vector.shape_cast %sub3A_199 : vector<128x1xf32> to vector<128x1xf32>
    %broadcast_in_dim3A_201 = vector.broadcast %broadcast_in_dim3A_200 : vector<128x1xf32> to vector<128x64xf32>
    %broadcast_in_dim3A_202 = vector.shape_cast %get3A_196 : vector<128x1xf32> to vector<128x1xf32>
    %broadcast_in_dim3A_203 = vector.broadcast %broadcast_in_dim3A_202 : vector<128x1xf32> to vector<128x64xf32>
    %concatenate3A_204 = tpu.concatenate %broadcast_in_dim3A_201, %broadcast_in_dim3A_203 in 1 : vector<128x64xf32>, vector<128x64xf32> -> vector<128x128xf32>
    %slice3A_205 = vector.extract_strided_slice %get3A_1 {offsets = [1664, 0], sizes = [128, 128], strides = [1, 1]} : vector<12800x128xf32> to vector<128x128xf32>
    %mul3A_206 = arith.mulf %slice3A_205, %concatenate3A_204 : vector<128x128xf32>
    %get3A_207 = arith.constant 0 : index
    %get3A_208 = arith.constant 0 : index
    %get3A_209 = arith.constant 14 : index
    %get3A_210 = vector.load %arg2[%get3A_207, %get3A_208, %get3A_209] : memref<1x128x100xf32, #tpu.memory_space<vmem>>, vector<1x128x1xf32>
    %get3A_211 = vector.shape_cast %get3A_210 : vector<1x128x1xf32> to vector<128x1xf32>
    %sub3A_212 = arith.constant 1.000000e+00 : f32
    %sub3A_213 = vector.broadcast %sub3A_212 : f32 to vector<128x1xf32>
    %sub3A_214 = arith.subf %sub3A_213, %get3A_211 : vector<128x1xf32>
    %broadcast_in_dim3A_215 = vector.shape_cast %sub3A_214 : vector<128x1xf32> to vector<128x1xf32>
    %broadcast_in_dim3A_216 = vector.broadcast %broadcast_in_dim3A_215 : vector<128x1xf32> to vector<128x64xf32>
    %broadcast_in_dim3A_217 = vector.shape_cast %get3A_211 : vector<128x1xf32> to vector<128x1xf32>
    %broadcast_in_dim3A_218 = vector.broadcast %broadcast_in_dim3A_217 : vector<128x1xf32> to vector<128x64xf32>
    %concatenate3A_219 = tpu.concatenate %broadcast_in_dim3A_216, %broadcast_in_dim3A_218 in 1 : vector<128x64xf32>, vector<128x64xf32> -> vector<128x128xf32>
    %slice3A_220 = vector.extract_strided_slice %get3A_1 {offsets = [1792, 0], sizes = [128, 128], strides = [1, 1]} : vector<12800x128xf32> to vector<128x128xf32>
    %mul3A_221 = arith.mulf %slice3A_220, %concatenate3A_219 : vector<128x128xf32>
    %get3A_222 = arith.constant 0 : index
    %get3A_223 = arith.constant 0 : index
    %get3A_224 = arith.constant 15 : index
    %get3A_225 = vector.load %arg2[%get3A_222, %get3A_223, %get3A_224] : memref<1x128x100xf32, #tpu.memory_space<vmem>>, vector<1x128x1xf32>
    %get3A_226 = vector.shape_cast %get3A_225 : vector<1x128x1xf32> to vector<128x1xf32>
    %sub3A_227 = arith.constant 1.000000e+00 : f32
    %sub3A_228 = vector.broadcast %sub3A_227 : f32 to vector<128x1xf32>
    %sub3A_229 = arith.subf %sub3A_228, %get3A_226 : vector<128x1xf32>
    %broadcast_in_dim3A_230 = vector.shape_cast %sub3A_229 : vector<128x1xf32> to vector<128x1xf32>
    %broadcast_in_dim3A_231 = vector.broadcast %broadcast_in_dim3A_230 : vector<128x1xf32> to vector<128x64xf32>
    %broadcast_in_dim3A_232 = vector.shape_cast %get3A_226 : vector<128x1xf32> to vector<128x1xf32>
    %broadcast_in_dim3A_233 = vector.broadcast %broadcast_in_dim3A_232 : vector<128x1xf32> to vector<128x64xf32>
    %concatenate3A_234 = tpu.concatenate %broadcast_in_dim3A_231, %broadcast_in_dim3A_233 in 1 : vector<128x64xf32>, vector<128x64xf32> -> vector<128x128xf32>
    %slice3A_235 = vector.extract_strided_slice %get3A_1 {offsets = [1920, 0], sizes = [128, 128], strides = [1, 1]} : vector<12800x128xf32> to vector<128x128xf32>
    %mul3A_236 = arith.mulf %slice3A_235, %concatenate3A_234 : vector<128x128xf32>
    %get3A_237 = arith.constant 0 : index
    %get3A_238 = arith.constant 0 : index
    %get3A_239 = arith.constant 16 : index
    %get3A_240 = vector.load %arg2[%get3A_237, %get3A_238, %get3A_239] : memref<1x128x100xf32, #tpu.memory_space<vmem>>, vector<1x128x1xf32>
    %get3A_241 = vector.shape_cast %get3A_240 : vector<1x128x1xf32> to vector<128x1xf32>
    %sub3A_242 = arith.constant 1.000000e+00 : f32
    %sub3A_243 = vector.broadcast %sub3A_242 : f32 to vector<128x1xf32>
    %sub3A_244 = arith.subf %sub3A_243, %get3A_241 : vector<128x1xf32>
    %broadcast_in_dim3A_245 = vector.shape_cast %sub3A_244 : vector<128x1xf32> to vector<128x1xf32>
    %broadcast_in_dim3A_246 = vector.broadcast %broadcast_in_dim3A_245 : vector<128x1xf32> to vector<128x64xf32>
    %broadcast_in_dim3A_247 = vector.shape_cast %get3A_241 : vector<128x1xf32> to vector<128x1xf32>
    %broadcast_in_dim3A_248 = vector.broadcast %broadcast_in_dim3A_247 : vector<128x1xf32> to vector<128x64xf32>
    %concatenate3A_249 = tpu.concatenate %broadcast_in_dim3A_246, %broadcast_in_dim3A_248 in 1 : vector<128x64xf32>, vector<128x64xf32> -> vector<128x128xf32>
    %slice3A_250 = vector.extract_strided_slice %get3A_1 {offsets = [2048, 0], sizes = [128, 128], strides = [1, 1]} : vector<12800x128xf32> to vector<128x128xf32>
    %mul3A_251 = arith.mulf %slice3A_250, %concatenate3A_249 : vector<128x128xf32>
    %get3A_252 = arith.constant 0 : index
    %get3A_253 = arith.constant 0 : index
    %get3A_254 = arith.constant 17 : index
    %get3A_255 = vector.load %arg2[%get3A_252, %get3A_253, %get3A_254] : memref<1x128x100xf32, #tpu.memory_space<vmem>>, vector<1x128x1xf32>
    %get3A_256 = vector.shape_cast %get3A_255 : vector<1x128x1xf32> to vector<128x1xf32>
    %sub3A_257 = arith.constant 1.000000e+00 : f32
    %sub3A_258 = vector.broadcast %sub3A_257 : f32 to vector<128x1xf32>
    %sub3A_259 = arith.subf %sub3A_258, %get3A_256 : vector<128x1xf32>
    %broadcast_in_dim3A_260 = vector.shape_cast %sub3A_259 : vector<128x1xf32> to vector<128x1xf32>
    %broadcast_in_dim3A_261 = vector.broadcast %broadcast_in_dim3A_260 : vector<128x1xf32> to vector<128x64xf32>
    %broadcast_in_dim3A_262 = vector.shape_cast %get3A_256 : vector<128x1xf32> to vector<128x1xf32>
    %broadcast_in_dim3A_263 = vector.broadcast %broadcast_in_dim3A_262 : vector<128x1xf32> to vector<128x64xf32>
    %concatenate3A_264 = tpu.concatenate %broadcast_in_dim3A_261, %broadcast_in_dim3A_263 in 1 : vector<128x64xf32>, vector<128x64xf32> -> vector<128x128xf32>
    %slice3A_265 = vector.extract_strided_slice %get3A_1 {offsets = [2176, 0], sizes = [128, 128], strides = [1, 1]} : vector<12800x128xf32> to vector<128x128xf32>
    %mul3A_266 = arith.mulf %slice3A_265, %concatenate3A_264 : vector<128x128xf32>
    %get3A_267 = arith.constant 0 : index
    %get3A_268 = arith.constant 0 : index
    %get3A_269 = arith.constant 18 : index
    %get3A_270 = vector.load %arg2[%get3A_267, %get3A_268, %get3A_269] : memref<1x128x100xf32, #tpu.memory_space<vmem>>, vector<1x128x1xf32>
    %get3A_271 = vector.shape_cast %get3A_270 : vector<1x128x1xf32> to vector<128x1xf32>
    %sub3A_272 = arith.constant 1.000000e+00 : f32
    %sub3A_273 = vector.broadcast %sub3A_272 : f32 to vector<128x1xf32>
    %sub3A_274 = arith.subf %sub3A_273, %get3A_271 : vector<128x1xf32>
    %broadcast_in_dim3A_275 = vector.shape_cast %sub3A_274 : vector<128x1xf32> to vector<128x1xf32>
    %broadcast_in_dim3A_276 = vector.broadcast %broadcast_in_dim3A_275 : vector<128x1xf32> to vector<128x64xf32>
    %broadcast_in_dim3A_277 = vector.shape_cast %get3A_271 : vector<128x1xf32> to vector<128x1xf32>
    %broadcast_in_dim3A_278 = vector.broadcast %broadcast_in_dim3A_277 : vector<128x1xf32> to vector<128x64xf32>
    %concatenate3A_279 = tpu.concatenate %broadcast_in_dim3A_276, %broadcast_in_dim3A_278 in 1 : vector<128x64xf32>, vector<128x64xf32> -> vector<128x128xf32>
    %slice3A_280 = vector.extract_strided_slice %get3A_1 {offsets = [2304, 0], sizes = [128, 128], strides = [1, 1]} : vector<12800x128xf32> to vector<128x128xf32>
    %mul3A_281 = arith.mulf %slice3A_280, %concatenate3A_279 : vector<128x128xf32>
    %get3A_282 = arith.constant 0 : index
    %get3A_283 = arith.constant 0 : index
    %get3A_284 = arith.constant 19 : index
    %get3A_285 = vector.load %arg2[%get3A_282, %get3A_283, %get3A_284] : memref<1x128x100xf32, #tpu.memory_space<vmem>>, vector<1x128x1xf32>
    %get3A_286 = vector.shape_cast %get3A_285 : vector<1x128x1xf32> to vector<128x1xf32>
    %sub3A_287 = arith.constant 1.000000e+00 : f32
    %sub3A_288 = vector.broadcast %sub3A_287 : f32 to vector<128x1xf32>
    %sub3A_289 = arith.subf %sub3A_288, %get3A_286 : vector<128x1xf32>
    %broadcast_in_dim3A_290 = vector.shape_cast %sub3A_289 : vector<128x1xf32> to vector<128x1xf32>
    %broadcast_in_dim3A_291 = vector.broadcast %broadcast_in_dim3A_290 : vector<128x1xf32> to vector<128x64xf32>
    %broadcast_in_dim3A_292 = vector.shape_cast %get3A_286 : vector<128x1xf32> to vector<128x1xf32>
    %broadcast_in_dim3A_293 = vector.broadcast %broadcast_in_dim3A_292 : vector<128x1xf32> to vector<128x64xf32>
    %concatenate3A_294 = tpu.concatenate %broadcast_in_dim3A_291, %broadcast_in_dim3A_293 in 1 : vector<128x64xf32>, vector<128x64xf32> -> vector<128x128xf32>
    %slice3A_295 = vector.extract_strided_slice %get3A_1 {offsets = [2432, 0], sizes = [128, 128], strides = [1, 1]} : vector<12800x128xf32> to vector<128x128xf32>
    %mul3A_296 = arith.mulf %slice3A_295, %concatenate3A_294 : vector<128x128xf32>
    %get3A_297 = arith.constant 0 : index
    %get3A_298 = arith.constant 0 : index
    %get3A_299 = arith.constant 20 : index
    %get3A_300 = vector.load %arg2[%get3A_297, %get3A_298, %get3A_299] : memref<1x128x100xf32, #tpu.memory_space<vmem>>, vector<1x128x1xf32>
    %get3A_301 = vector.shape_cast %get3A_300 : vector<1x128x1xf32> to vector<128x1xf32>
    %sub3A_302 = arith.constant 1.000000e+00 : f32
    %sub3A_303 = vector.broadcast %sub3A_302 : f32 to vector<128x1xf32>
    %sub3A_304 = arith.subf %sub3A_303, %get3A_301 : vector<128x1xf32>
    %broadcast_in_dim3A_305 = vector.shape_cast %sub3A_304 : vector<128x1xf32> to vector<128x1xf32>
    %broadcast_in_dim3A_306 = vector.broadcast %broadcast_in_dim3A_305 : vector<128x1xf32> to vector<128x64xf32>
    %broadcast_in_dim3A_307 = vector.shape_cast %get3A_301 : vector<128x1xf32> to vector<128x1xf32>
    %broadcast_in_dim3A_308 = vector.broadcast %broadcast_in_dim3A_307 : vector<128x1xf32> to vector<128x64xf32>
    %concatenate3A_309 = tpu.concatenate %broadcast_in_dim3A_306, %broadcast_in_dim3A_308 in 1 : vector<128x64xf32>, vector<128x64xf32> -> vector<128x128xf32>
    %slice3A_310 = vector.extract_strided_slice %get3A_1 {offsets = [2560, 0], sizes = [128, 128], strides = [1, 1]} : vector<12800x128xf32> to vector<128x128xf32>
    %mul3A_311 = arith.mulf %slice3A_310, %concatenate3A_309 : vector<128x128xf32>
    %get3A_312 = arith.constant 0 : index
    %get3A_313 = arith.constant 0 : index
    %get3A_314 = arith.constant 21 : index
    %get3A_315 = vector.load %arg2[%get3A_312, %get3A_313, %get3A_314] : memref<1x128x100xf32, #tpu.memory_space<vmem>>, vector<1x128x1xf32>
    %get3A_316 = vector.shape_cast %get3A_315 : vector<1x128x1xf32> to vector<128x1xf32>
    %sub3A_317 = arith.constant 1.000000e+00 : f32
    %sub3A_318 = vector.broadcast %sub3A_317 : f32 to vector<128x1xf32>
    %sub3A_319 = arith.subf %sub3A_318, %get3A_316 : vector<128x1xf32>
    %broadcast_in_dim3A_320 = vector.shape_cast %sub3A_319 : vector<128x1xf32> to vector<128x1xf32>
    %broadcast_in_dim3A_321 = vector.broadcast %broadcast_in_dim3A_320 : vector<128x1xf32> to vector<128x64xf32>
    %broadcast_in_dim3A_322 = vector.shape_cast %get3A_316 : vector<128x1xf32> to vector<128x1xf32>
    %broadcast_in_dim3A_323 = vector.broadcast %broadcast_in_dim3A_322 : vector<128x1xf32> to vector<128x64xf32>
    %concatenate3A_324 = tpu.concatenate %broadcast_in_dim3A_321, %broadcast_in_dim3A_323 in 1 : vector<128x64xf32>, vector<128x64xf32> -> vector<128x128xf32>
    %slice3A_325 = vector.extract_strided_slice %get3A_1 {offsets = [2688, 0], sizes = [128, 128], strides = [1, 1]} : vector<12800x128xf32> to vector<128x128xf32>
    %mul3A_326 = arith.mulf %slice3A_325, %concatenate3A_324 : vector<128x128xf32>
    %get3A_327 = arith.constant 0 : index
    %get3A_328 = arith.constant 0 : index
    %get3A_329 = arith.constant 22 : index
    %get3A_330 = vector.load %arg2[%get3A_327, %get3A_328, %get3A_329] : memref<1x128x100xf32, #tpu.memory_space<vmem>>, vector<1x128x1xf32>
    %get3A_331 = vector.shape_cast %get3A_330 : vector<1x128x1xf32> to vector<128x1xf32>
    %sub3A_332 = arith.constant 1.000000e+00 : f32
    %sub3A_333 = vector.broadcast %sub3A_332 : f32 to vector<128x1xf32>
    %sub3A_334 = arith.subf %sub3A_333, %get3A_331 : vector<128x1xf32>
    %broadcast_in_dim3A_335 = vector.shape_cast %sub3A_334 : vector<128x1xf32> to vector<128x1xf32>
    %broadcast_in_dim3A_336 = vector.broadcast %broadcast_in_dim3A_335 : vector<128x1xf32> to vector<128x64xf32>
    %broadcast_in_dim3A_337 = vector.shape_cast %get3A_331 : vector<128x1xf32> to vector<128x1xf32>
    %broadcast_in_dim3A_338 = vector.broadcast %broadcast_in_dim3A_337 : vector<128x1xf32> to vector<128x64xf32>
    %concatenate3A_339 = tpu.concatenate %broadcast_in_dim3A_336, %broadcast_in_dim3A_338 in 1 : vector<128x64xf32>, vector<128x64xf32> -> vector<128x128xf32>
    %slice3A_340 = vector.extract_strided_slice %get3A_1 {offsets = [2816, 0], sizes = [128, 128], strides = [1, 1]} : vector<12800x128xf32> to vector<128x128xf32>
    %mul3A_341 = arith.mulf %slice3A_340, %concatenate3A_339 : vector<128x128xf32>
    %get3A_342 = arith.constant 0 : index
    %get3A_343 = arith.constant 0 : index
    %get3A_344 = arith.constant 23 : index
    %get3A_345 = vector.load %arg2[%get3A_342, %get3A_343, %get3A_344] : memref<1x128x100xf32, #tpu.memory_space<vmem>>, vector<1x128x1xf32>
    %get3A_346 = vector.shape_cast %get3A_345 : vector<1x128x1xf32> to vector<128x1xf32>
    %sub3A_347 = arith.constant 1.000000e+00 : f32
    %sub3A_348 = vector.broadcast %sub3A_347 : f32 to vector<128x1xf32>
    %sub3A_349 = arith.subf %sub3A_348, %get3A_346 : vector<128x1xf32>
    %broadcast_in_dim3A_350 = vector.shape_cast %sub3A_349 : vector<128x1xf32> to vector<128x1xf32>
    %broadcast_in_dim3A_351 = vector.broadcast %broadcast_in_dim3A_350 : vector<128x1xf32> to vector<128x64xf32>
    %broadcast_in_dim3A_352 = vector.shape_cast %get3A_346 : vector<128x1xf32> to vector<128x1xf32>
    %broadcast_in_dim3A_353 = vector.broadcast %broadcast_in_dim3A_352 : vector<128x1xf32> to vector<128x64xf32>
    %concatenate3A_354 = tpu.concatenate %broadcast_in_dim3A_351, %broadcast_in_dim3A_353 in 1 : vector<128x64xf32>, vector<128x64xf32> -> vector<128x128xf32>
    %slice3A_355 = vector.extract_strided_slice %get3A_1 {offsets = [2944, 0], sizes = [128, 128], strides = [1, 1]} : vector<12800x128xf32> to vector<128x128xf32>
    %mul3A_356 = arith.mulf %slice3A_355, %concatenate3A_354 : vector<128x128xf32>
    %get3A_357 = arith.constant 0 : index
    %get3A_358 = arith.constant 0 : index
    %get3A_359 = arith.constant 24 : index
    %get3A_360 = vector.load %arg2[%get3A_357, %get3A_358, %get3A_359] : memref<1x128x100xf32, #tpu.memory_space<vmem>>, vector<1x128x1xf32>
    %get3A_361 = vector.shape_cast %get3A_360 : vector<1x128x1xf32> to vector<128x1xf32>
    %sub3A_362 = arith.constant 1.000000e+00 : f32
    %sub3A_363 = vector.broadcast %sub3A_362 : f32 to vector<128x1xf32>
    %sub3A_364 = arith.subf %sub3A_363, %get3A_361 : vector<128x1xf32>
    %broadcast_in_dim3A_365 = vector.shape_cast %sub3A_364 : vector<128x1xf32> to vector<128x1xf32>
    %broadcast_in_dim3A_366 = vector.broadcast %broadcast_in_dim3A_365 : vector<128x1xf32> to vector<128x64xf32>
    %broadcast_in_dim3A_367 = vector.shape_cast %get3A_361 : vector<128x1xf32> to vector<128x1xf32>
    %broadcast_in_dim3A_368 = vector.broadcast %broadcast_in_dim3A_367 : vector<128x1xf32> to vector<128x64xf32>
    %concatenate3A_369 = tpu.concatenate %broadcast_in_dim3A_366, %broadcast_in_dim3A_368 in 1 : vector<128x64xf32>, vector<128x64xf32> -> vector<128x128xf32>
    %slice3A_370 = vector.extract_strided_slice %get3A_1 {offsets = [3072, 0], sizes = [128, 128], strides = [1, 1]} : vector<12800x128xf32> to vector<128x128xf32>
    %mul3A_371 = arith.mulf %slice3A_370, %concatenate3A_369 : vector<128x128xf32>
    %get3A_372 = arith.constant 0 : index
    %get3A_373 = arith.constant 0 : index
    %get3A_374 = arith.constant 25 : index
    %get3A_375 = vector.load %arg2[%get3A_372, %get3A_373, %get3A_374] : memref<1x128x100xf32, #tpu.memory_space<vmem>>, vector<1x128x1xf32>
    %get3A_376 = vector.shape_cast %get3A_375 : vector<1x128x1xf32> to vector<128x1xf32>
    %sub3A_377 = arith.constant 1.000000e+00 : f32
    %sub3A_378 = vector.broadcast %sub3A_377 : f32 to vector<128x1xf32>
    %sub3A_379 = arith.subf %sub3A_378, %get3A_376 : vector<128x1xf32>
    %broadcast_in_dim3A_380 = vector.shape_cast %sub3A_379 : vector<128x1xf32> to vector<128x1xf32>
    %broadcast_in_dim3A_381 = vector.broadcast %broadcast_in_dim3A_380 : vector<128x1xf32> to vector<128x64xf32>
    %broadcast_in_dim3A_382 = vector.shape_cast %get3A_376 : vector<128x1xf32> to vector<128x1xf32>
    %broadcast_in_dim3A_383 = vector.broadcast %broadcast_in_dim3A_382 : vector<128x1xf32> to vector<128x64xf32>
    %concatenate3A_384 = tpu.concatenate %broadcast_in_dim3A_381, %broadcast_in_dim3A_383 in 1 : vector<128x64xf32>, vector<128x64xf32> -> vector<128x128xf32>
    %slice3A_385 = vector.extract_strided_slice %get3A_1 {offsets = [3200, 0], sizes = [128, 128], strides = [1, 1]} : vector<12800x128xf32> to vector<128x128xf32>
    %mul3A_386 = arith.mulf %slice3A_385, %concatenate3A_384 : vector<128x128xf32>
    %get3A_387 = arith.constant 0 : index
    %get3A_388 = arith.constant 0 : index
    %get3A_389 = arith.constant 26 : index
    %get3A_390 = vector.load %arg2[%get3A_387, %get3A_388, %get3A_389] : memref<1x128x100xf32, #tpu.memory_space<vmem>>, vector<1x128x1xf32>
    %get3A_391 = vector.shape_cast %get3A_390 : vector<1x128x1xf32> to vector<128x1xf32>
    %sub3A_392 = arith.constant 1.000000e+00 : f32
    %sub3A_393 = vector.broadcast %sub3A_392 : f32 to vector<128x1xf32>
    %sub3A_394 = arith.subf %sub3A_393, %get3A_391 : vector<128x1xf32>
    %broadcast_in_dim3A_395 = vector.shape_cast %sub3A_394 : vector<128x1xf32> to vector<128x1xf32>
    %broadcast_in_dim3A_396 = vector.broadcast %broadcast_in_dim3A_395 : vector<128x1xf32> to vector<128x64xf32>
    %broadcast_in_dim3A_397 = vector.shape_cast %get3A_391 : vector<128x1xf32> to vector<128x1xf32>
    %broadcast_in_dim3A_398 = vector.broadcast %broadcast_in_dim3A_397 : vector<128x1xf32> to vector<128x64xf32>
    %concatenate3A_399 = tpu.concatenate %broadcast_in_dim3A_396, %broadcast_in_dim3A_398 in 1 : vector<128x64xf32>, vector<128x64xf32> -> vector<128x128xf32>
    %slice3A_400 = vector.extract_strided_slice %get3A_1 {offsets = [3328, 0], sizes = [128, 128], strides = [1, 1]} : vector<12800x128xf32> to vector<128x128xf32>
    %mul3A_401 = arith.mulf %slice3A_400, %concatenate3A_399 : vector<128x128xf32>
    %get3A_402 = arith.constant 0 : index
    %get3A_403 = arith.constant 0 : index
    %get3A_404 = arith.constant 27 : index
    %get3A_405 = vector.load %arg2[%get3A_402, %get3A_403, %get3A_404] : memref<1x128x100xf32, #tpu.memory_space<vmem>>, vector<1x128x1xf32>
    %get3A_406 = vector.shape_cast %get3A_405 : vector<1x128x1xf32> to vector<128x1xf32>
    %sub3A_407 = arith.constant 1.000000e+00 : f32
    %sub3A_408 = vector.broadcast %sub3A_407 : f32 to vector<128x1xf32>
    %sub3A_409 = arith.subf %sub3A_408, %get3A_406 : vector<128x1xf32>
    %broadcast_in_dim3A_410 = vector.shape_cast %sub3A_409 : vector<128x1xf32> to vector<128x1xf32>
    %broadcast_in_dim3A_411 = vector.broadcast %broadcast_in_dim3A_410 : vector<128x1xf32> to vector<128x64xf32>
    %broadcast_in_dim3A_412 = vector.shape_cast %get3A_406 : vector<128x1xf32> to vector<128x1xf32>
    %broadcast_in_dim3A_413 = vector.broadcast %broadcast_in_dim3A_412 : vector<128x1xf32> to vector<128x64xf32>
    %concatenate3A_414 = tpu.concatenate %broadcast_in_dim3A_411, %broadcast_in_dim3A_413 in 1 : vector<128x64xf32>, vector<128x64xf32> -> vector<128x128xf32>
    %slice3A_415 = vector.extract_strided_slice %get3A_1 {offsets = [3456, 0], sizes = [128, 128], strides = [1, 1]} : vector<12800x128xf32> to vector<128x128xf32>
    %mul3A_416 = arith.mulf %slice3A_415, %concatenate3A_414 : vector<128x128xf32>
    %get3A_417 = arith.constant 0 : index
    %get3A_418 = arith.constant 0 : index
    %get3A_419 = arith.constant 28 : index
    %get3A_420 = vector.load %arg2[%get3A_417, %get3A_418, %get3A_419] : memref<1x128x100xf32, #tpu.memory_space<vmem>>, vector<1x128x1xf32>
    %get3A_421 = vector.shape_cast %get3A_420 : vector<1x128x1xf32> to vector<128x1xf32>
    %sub3A_422 = arith.constant 1.000000e+00 : f32
    %sub3A_423 = vector.broadcast %sub3A_422 : f32 to vector<128x1xf32>
    %sub3A_424 = arith.subf %sub3A_423, %get3A_421 : vector<128x1xf32>
    %broadcast_in_dim3A_425 = vector.shape_cast %sub3A_424 : vector<128x1xf32> to vector<128x1xf32>
    %broadcast_in_dim3A_426 = vector.broadcast %broadcast_in_dim3A_425 : vector<128x1xf32> to vector<128x64xf32>
    %broadcast_in_dim3A_427 = vector.shape_cast %get3A_421 : vector<128x1xf32> to vector<128x1xf32>
    %broadcast_in_dim3A_428 = vector.broadcast %broadcast_in_dim3A_427 : vector<128x1xf32> to vector<128x64xf32>
    %concatenate3A_429 = tpu.concatenate %broadcast_in_dim3A_426, %broadcast_in_dim3A_428 in 1 : vector<128x64xf32>, vector<128x64xf32> -> vector<128x128xf32>
    %slice3A_430 = vector.extract_strided_slice %get3A_1 {offsets = [3584, 0], sizes = [128, 128], strides = [1, 1]} : vector<12800x128xf32> to vector<128x128xf32>
    %mul3A_431 = arith.mulf %slice3A_430, %concatenate3A_429 : vector<128x128xf32>
    %get3A_432 = arith.constant 0 : index
    %get3A_433 = arith.constant 0 : index
    %get3A_434 = arith.constant 29 : index
    %get3A_435 = vector.load %arg2[%get3A_432, %get3A_433, %get3A_434] : memref<1x128x100xf32, #tpu.memory_space<vmem>>, vector<1x128x1xf32>
    %get3A_436 = vector.shape_cast %get3A_435 : vector<1x128x1xf32> to vector<128x1xf32>
    %sub3A_437 = arith.constant 1.000000e+00 : f32
    %sub3A_438 = vector.broadcast %sub3A_437 : f32 to vector<128x1xf32>
    %sub3A_439 = arith.subf %sub3A_438, %get3A_436 : vector<128x1xf32>
    %broadcast_in_dim3A_440 = vector.shape_cast %sub3A_439 : vector<128x1xf32> to vector<128x1xf32>
    %broadcast_in_dim3A_441 = vector.broadcast %broadcast_in_dim3A_440 : vector<128x1xf32> to vector<128x64xf32>
    %broadcast_in_dim3A_442 = vector.shape_cast %get3A_436 : vector<128x1xf32> to vector<128x1xf32>
    %broadcast_in_dim3A_443 = vector.broadcast %broadcast_in_dim3A_442 : vector<128x1xf32> to vector<128x64xf32>
    %concatenate3A_444 = tpu.concatenate %broadcast_in_dim3A_441, %broadcast_in_dim3A_443 in 1 : vector<128x64xf32>, vector<128x64xf32> -> vector<128x128xf32>
    %slice3A_445 = vector.extract_strided_slice %get3A_1 {offsets = [3712, 0], sizes = [128, 128], strides = [1, 1]} : vector<12800x128xf32> to vector<128x128xf32>
    %mul3A_446 = arith.mulf %slice3A_445, %concatenate3A_444 : vector<128x128xf32>
    %get3A_447 = arith.constant 0 : index
    %get3A_448 = arith.constant 0 : index
    %get3A_449 = arith.constant 30 : index
    %get3A_450 = vector.load %arg2[%get3A_447, %get3A_448, %get3A_449] : memref<1x128x100xf32, #tpu.memory_space<vmem>>, vector<1x128x1xf32>
    %get3A_451 = vector.shape_cast %get3A_450 : vector<1x128x1xf32> to vector<128x1xf32>
    %sub3A_452 = arith.constant 1.000000e+00 : f32
    %sub3A_453 = vector.broadcast %sub3A_452 : f32 to vector<128x1xf32>
    %sub3A_454 = arith.subf %sub3A_453, %get3A_451 : vector<128x1xf32>
    %broadcast_in_dim3A_455 = vector.shape_cast %sub3A_454 : vector<128x1xf32> to vector<128x1xf32>
    %broadcast_in_dim3A_456 = vector.broadcast %broadcast_in_dim3A_455 : vector<128x1xf32> to vector<128x64xf32>
    %broadcast_in_dim3A_457 = vector.shape_cast %get3A_451 : vector<128x1xf32> to vector<128x1xf32>
    %broadcast_in_dim3A_458 = vector.broadcast %broadcast_in_dim3A_457 : vector<128x1xf32> to vector<128x64xf32>
    %concatenate3A_459 = tpu.concatenate %broadcast_in_dim3A_456, %broadcast_in_dim3A_458 in 1 : vector<128x64xf32>, vector<128x64xf32> -> vector<128x128xf32>
    %slice3A_460 = vector.extract_strided_slice %get3A_1 {offsets = [3840, 0], sizes = [128, 128], strides = [1, 1]} : vector<12800x128xf32> to vector<128x128xf32>
    %mul3A_461 = arith.mulf %slice3A_460, %concatenate3A_459 : vector<128x128xf32>
    %get3A_462 = arith.constant 0 : index
    %get3A_463 = arith.constant 0 : index
    %get3A_464 = arith.constant 31 : index
    %get3A_465 = vector.load %arg2[%get3A_462, %get3A_463, %get3A_464] : memref<1x128x100xf32, #tpu.memory_space<vmem>>, vector<1x128x1xf32>
    %get3A_466 = vector.shape_cast %get3A_465 : vector<1x128x1xf32> to vector<128x1xf32>
    %sub3A_467 = arith.constant 1.000000e+00 : f32
    %sub3A_468 = vector.broadcast %sub3A_467 : f32 to vector<128x1xf32>
    %sub3A_469 = arith.subf %sub3A_468, %get3A_466 : vector<128x1xf32>
    %broadcast_in_dim3A_470 = vector.shape_cast %sub3A_469 : vector<128x1xf32> to vector<128x1xf32>
    %broadcast_in_dim3A_471 = vector.broadcast %broadcast_in_dim3A_470 : vector<128x1xf32> to vector<128x64xf32>
    %broadcast_in_dim3A_472 = vector.shape_cast %get3A_466 : vector<128x1xf32> to vector<128x1xf32>
    %broadcast_in_dim3A_473 = vector.broadcast %broadcast_in_dim3A_472 : vector<128x1xf32> to vector<128x64xf32>
    %concatenate3A_474 = tpu.concatenate %broadcast_in_dim3A_471, %broadcast_in_dim3A_473 in 1 : vector<128x64xf32>, vector<128x64xf32> -> vector<128x128xf32>
    %slice3A_475 = vector.extract_strided_slice %get3A_1 {offsets = [3968, 0], sizes = [128, 128], strides = [1, 1]} : vector<12800x128xf32> to vector<128x128xf32>
    %mul3A_476 = arith.mulf %slice3A_475, %concatenate3A_474 : vector<128x128xf32>
    %get3A_477 = arith.constant 0 : index
    %get3A_478 = arith.constant 0 : index
    %get3A_479 = arith.constant 32 : index
    %get3A_480 = vector.load %arg2[%get3A_477, %get3A_478, %get3A_479] : memref<1x128x100xf32, #tpu.memory_space<vmem>>, vector<1x128x1xf32>
    %get3A_481 = vector.shape_cast %get3A_480 : vector<1x128x1xf32> to vector<128x1xf32>
    %sub3A_482 = arith.constant 1.000000e+00 : f32
    %sub3A_483 = vector.broadcast %sub3A_482 : f32 to vector<128x1xf32>
    %sub3A_484 = arith.subf %sub3A_483, %get3A_481 : vector<128x1xf32>
    %broadcast_in_dim3A_485 = vector.shape_cast %sub3A_484 : vector<128x1xf32> to vector<128x1xf32>
    %broadcast_in_dim3A_486 = vector.broadcast %broadcast_in_dim3A_485 : vector<128x1xf32> to vector<128x64xf32>
    %broadcast_in_dim3A_487 = vector.shape_cast %get3A_481 : vector<128x1xf32> to vector<128x1xf32>
    %broadcast_in_dim3A_488 = vector.broadcast %broadcast_in_dim3A_487 : vector<128x1xf32> to vector<128x64xf32>
    %concatenate3A_489 = tpu.concatenate %broadcast_in_dim3A_486, %broadcast_in_dim3A_488 in 1 : vector<128x64xf32>, vector<128x64xf32> -> vector<128x128xf32>
    %slice3A_490 = vector.extract_strided_slice %get3A_1 {offsets = [4096, 0], sizes = [128, 128], strides = [1, 1]} : vector<12800x128xf32> to vector<128x128xf32>
    %mul3A_491 = arith.mulf %slice3A_490, %concatenate3A_489 : vector<128x128xf32>
    %get3A_492 = arith.constant 0 : index
    %get3A_493 = arith.constant 0 : index
    %get3A_494 = arith.constant 33 : index
    %get3A_495 = vector.load %arg2[%get3A_492, %get3A_493, %get3A_494] : memref<1x128x100xf32, #tpu.memory_space<vmem>>, vector<1x128x1xf32>
    %get3A_496 = vector.shape_cast %get3A_495 : vector<1x128x1xf32> to vector<128x1xf32>
    %sub3A_497 = arith.constant 1.000000e+00 : f32
    %sub3A_498 = vector.broadcast %sub3A_497 : f32 to vector<128x1xf32>
    %sub3A_499 = arith.subf %sub3A_498, %get3A_496 : vector<128x1xf32>
    %broadcast_in_dim3A_500 = vector.shape_cast %sub3A_499 : vector<128x1xf32> to vector<128x1xf32>
    %broadcast_in_dim3A_501 = vector.broadcast %broadcast_in_dim3A_500 : vector<128x1xf32> to vector<128x64xf32>
    %broadcast_in_dim3A_502 = vector.shape_cast %get3A_496 : vector<128x1xf32> to vector<128x1xf32>
    %broadcast_in_dim3A_503 = vector.broadcast %broadcast_in_dim3A_502 : vector<128x1xf32> to vector<128x64xf32>
    %concatenate3A_504 = tpu.concatenate %broadcast_in_dim3A_501, %broadcast_in_dim3A_503 in 1 : vector<128x64xf32>, vector<128x64xf32> -> vector<128x128xf32>
    %slice3A_505 = vector.extract_strided_slice %get3A_1 {offsets = [4224, 0], sizes = [128, 128], strides = [1, 1]} : vector<12800x128xf32> to vector<128x128xf32>
    %mul3A_506 = arith.mulf %slice3A_505, %concatenate3A_504 : vector<128x128xf32>
    %get3A_507 = arith.constant 0 : index
    %get3A_508 = arith.constant 0 : index
    %get3A_509 = arith.constant 34 : index
    %get3A_510 = vector.load %arg2[%get3A_507, %get3A_508, %get3A_509] : memref<1x128x100xf32, #tpu.memory_space<vmem>>, vector<1x128x1xf32>
    %get3A_511 = vector.shape_cast %get3A_510 : vector<1x128x1xf32> to vector<128x1xf32>
    %sub3A_512 = arith.constant 1.000000e+00 : f32
    %sub3A_513 = vector.broadcast %sub3A_512 : f32 to vector<128x1xf32>
    %sub3A_514 = arith.subf %sub3A_513, %get3A_511 : vector<128x1xf32>
    %broadcast_in_dim3A_515 = vector.shape_cast %sub3A_514 : vector<128x1xf32> to vector<128x1xf32>
    %broadcast_in_dim3A_516 = vector.broadcast %broadcast_in_dim3A_515 : vector<128x1xf32> to vector<128x64xf32>
    %broadcast_in_dim3A_517 = vector.shape_cast %get3A_511 : vector<128x1xf32> to vector<128x1xf32>
    %broadcast_in_dim3A_518 = vector.broadcast %broadcast_in_dim3A_517 : vector<128x1xf32> to vector<128x64xf32>
    %concatenate3A_519 = tpu.concatenate %broadcast_in_dim3A_516, %broadcast_in_dim3A_518 in 1 : vector<128x64xf32>, vector<128x64xf32> -> vector<128x128xf32>
    %slice3A_520 = vector.extract_strided_slice %get3A_1 {offsets = [4352, 0], sizes = [128, 128], strides = [1, 1]} : vector<12800x128xf32> to vector<128x128xf32>
    %mul3A_521 = arith.mulf %slice3A_520, %concatenate3A_519 : vector<128x128xf32>
    %get3A_522 = arith.constant 0 : index
    %get3A_523 = arith.constant 0 : index
    %get3A_524 = arith.constant 35 : index
    %get3A_525 = vector.load %arg2[%get3A_522, %get3A_523, %get3A_524] : memref<1x128x100xf32, #tpu.memory_space<vmem>>, vector<1x128x1xf32>
    %get3A_526 = vector.shape_cast %get3A_525 : vector<1x128x1xf32> to vector<128x1xf32>
    %sub3A_527 = arith.constant 1.000000e+00 : f32
    %sub3A_528 = vector.broadcast %sub3A_527 : f32 to vector<128x1xf32>
    %sub3A_529 = arith.subf %sub3A_528, %get3A_526 : vector<128x1xf32>
    %broadcast_in_dim3A_530 = vector.shape_cast %sub3A_529 : vector<128x1xf32> to vector<128x1xf32>
    %broadcast_in_dim3A_531 = vector.broadcast %broadcast_in_dim3A_530 : vector<128x1xf32> to vector<128x64xf32>
    %broadcast_in_dim3A_532 = vector.shape_cast %get3A_526 : vector<128x1xf32> to vector<128x1xf32>
    %broadcast_in_dim3A_533 = vector.broadcast %broadcast_in_dim3A_532 : vector<128x1xf32> to vector<128x64xf32>
    %concatenate3A_534 = tpu.concatenate %broadcast_in_dim3A_531, %broadcast_in_dim3A_533 in 1 : vector<128x64xf32>, vector<128x64xf32> -> vector<128x128xf32>
    %slice3A_535 = vector.extract_strided_slice %get3A_1 {offsets = [4480, 0], sizes = [128, 128], strides = [1, 1]} : vector<12800x128xf32> to vector<128x128xf32>
    %mul3A_536 = arith.mulf %slice3A_535, %concatenate3A_534 : vector<128x128xf32>
    %get3A_537 = arith.constant 0 : index
    %get3A_538 = arith.constant 0 : index
    %get3A_539 = arith.constant 36 : index
    %get3A_540 = vector.load %arg2[%get3A_537, %get3A_538, %get3A_539] : memref<1x128x100xf32, #tpu.memory_space<vmem>>, vector<1x128x1xf32>
    %get3A_541 = vector.shape_cast %get3A_540 : vector<1x128x1xf32> to vector<128x1xf32>
    %sub3A_542 = arith.constant 1.000000e+00 : f32
    %sub3A_543 = vector.broadcast %sub3A_542 : f32 to vector<128x1xf32>
    %sub3A_544 = arith.subf %sub3A_543, %get3A_541 : vector<128x1xf32>
    %broadcast_in_dim3A_545 = vector.shape_cast %sub3A_544 : vector<128x1xf32> to vector<128x1xf32>
    %broadcast_in_dim3A_546 = vector.broadcast %broadcast_in_dim3A_545 : vector<128x1xf32> to vector<128x64xf32>
    %broadcast_in_dim3A_547 = vector.shape_cast %get3A_541 : vector<128x1xf32> to vector<128x1xf32>
    %broadcast_in_dim3A_548 = vector.broadcast %broadcast_in_dim3A_547 : vector<128x1xf32> to vector<128x64xf32>
    %concatenate3A_549 = tpu.concatenate %broadcast_in_dim3A_546, %broadcast_in_dim3A_548 in 1 : vector<128x64xf32>, vector<128x64xf32> -> vector<128x128xf32>
    %slice3A_550 = vector.extract_strided_slice %get3A_1 {offsets = [4608, 0], sizes = [128, 128], strides = [1, 1]} : vector<12800x128xf32> to vector<128x128xf32>
    %mul3A_551 = arith.mulf %slice3A_550, %concatenate3A_549 : vector<128x128xf32>
    %get3A_552 = arith.constant 0 : index
    %get3A_553 = arith.constant 0 : index
    %get3A_554 = arith.constant 37 : index
    %get3A_555 = vector.load %arg2[%get3A_552, %get3A_553, %get3A_554] : memref<1x128x100xf32, #tpu.memory_space<vmem>>, vector<1x128x1xf32>
    %get3A_556 = vector.shape_cast %get3A_555 : vector<1x128x1xf32> to vector<128x1xf32>
    %sub3A_557 = arith.constant 1.000000e+00 : f32
    %sub3A_558 = vector.broadcast %sub3A_557 : f32 to vector<128x1xf32>
    %sub3A_559 = arith.subf %sub3A_558, %get3A_556 : vector<128x1xf32>
    %broadcast_in_dim3A_560 = vector.shape_cast %sub3A_559 : vector<128x1xf32> to vector<128x1xf32>
    %broadcast_in_dim3A_561 = vector.broadcast %broadcast_in_dim3A_560 : vector<128x1xf32> to vector<128x64xf32>
    %broadcast_in_dim3A_562 = vector.shape_cast %get3A_556 : vector<128x1xf32> to vector<128x1xf32>
    %broadcast_in_dim3A_563 = vector.broadcast %broadcast_in_dim3A_562 : vector<128x1xf32> to vector<128x64xf32>
    %concatenate3A_564 = tpu.concatenate %broadcast_in_dim3A_561, %broadcast_in_dim3A_563 in 1 : vector<128x64xf32>, vector<128x64xf32> -> vector<128x128xf32>
    %slice3A_565 = vector.extract_strided_slice %get3A_1 {offsets = [4736, 0], sizes = [128, 128], strides = [1, 1]} : vector<12800x128xf32> to vector<128x128xf32>
    %mul3A_566 = arith.mulf %slice3A_565, %concatenate3A_564 : vector<128x128xf32>
    %get3A_567 = arith.constant 0 : index
    %get3A_568 = arith.constant 0 : index
    %get3A_569 = arith.constant 38 : index
    %get3A_570 = vector.load %arg2[%get3A_567, %get3A_568, %get3A_569] : memref<1x128x100xf32, #tpu.memory_space<vmem>>, vector<1x128x1xf32>
    %get3A_571 = vector.shape_cast %get3A_570 : vector<1x128x1xf32> to vector<128x1xf32>
    %sub3A_572 = arith.constant 1.000000e+00 : f32
    %sub3A_573 = vector.broadcast %sub3A_572 : f32 to vector<128x1xf32>
    %sub3A_574 = arith.subf %sub3A_573, %get3A_571 : vector<128x1xf32>
    %broadcast_in_dim3A_575 = vector.shape_cast %sub3A_574 : vector<128x1xf32> to vector<128x1xf32>
    %broadcast_in_dim3A_576 = vector.broadcast %broadcast_in_dim3A_575 : vector<128x1xf32> to vector<128x64xf32>
    %broadcast_in_dim3A_577 = vector.shape_cast %get3A_571 : vector<128x1xf32> to vector<128x1xf32>
    %broadcast_in_dim3A_578 = vector.broadcast %broadcast_in_dim3A_577 : vector<128x1xf32> to vector<128x64xf32>
    %concatenate3A_579 = tpu.concatenate %broadcast_in_dim3A_576, %broadcast_in_dim3A_578 in 1 : vector<128x64xf32>, vector<128x64xf32> -> vector<128x128xf32>
    %slice3A_580 = vector.extract_strided_slice %get3A_1 {offsets = [4864, 0], sizes = [128, 128], strides = [1, 1]} : vector<12800x128xf32> to vector<128x128xf32>
    %mul3A_581 = arith.mulf %slice3A_580, %concatenate3A_579 : vector<128x128xf32>
    %get3A_582 = arith.constant 0 : index
    %get3A_583 = arith.constant 0 : index
    %get3A_584 = arith.constant 39 : index
    %get3A_585 = vector.load %arg2[%get3A_582, %get3A_583, %get3A_584] : memref<1x128x100xf32, #tpu.memory_space<vmem>>, vector<1x128x1xf32>
    %get3A_586 = vector.shape_cast %get3A_585 : vector<1x128x1xf32> to vector<128x1xf32>
    %sub3A_587 = arith.constant 1.000000e+00 : f32
    %sub3A_588 = vector.broadcast %sub3A_587 : f32 to vector<128x1xf32>
    %sub3A_589 = arith.subf %sub3A_588, %get3A_586 : vector<128x1xf32>
    %broadcast_in_dim3A_590 = vector.shape_cast %sub3A_589 : vector<128x1xf32> to vector<128x1xf32>
    %broadcast_in_dim3A_591 = vector.broadcast %broadcast_in_dim3A_590 : vector<128x1xf32> to vector<128x64xf32>
    %broadcast_in_dim3A_592 = vector.shape_cast %get3A_586 : vector<128x1xf32> to vector<128x1xf32>
    %broadcast_in_dim3A_593 = vector.broadcast %broadcast_in_dim3A_592 : vector<128x1xf32> to vector<128x64xf32>
    %concatenate3A_594 = tpu.concatenate %broadcast_in_dim3A_591, %broadcast_in_dim3A_593 in 1 : vector<128x64xf32>, vector<128x64xf32> -> vector<128x128xf32>
    %slice3A_595 = vector.extract_strided_slice %get3A_1 {offsets = [4992, 0], sizes = [128, 128], strides = [1, 1]} : vector<12800x128xf32> to vector<128x128xf32>
    %mul3A_596 = arith.mulf %slice3A_595, %concatenate3A_594 : vector<128x128xf32>
    %get3A_597 = arith.constant 0 : index
    %get3A_598 = arith.constant 0 : index
    %get3A_599 = arith.constant 40 : index
    %get3A_600 = vector.load %arg2[%get3A_597, %get3A_598, %get3A_599] : memref<1x128x100xf32, #tpu.memory_space<vmem>>, vector<1x128x1xf32>
    %get3A_601 = vector.shape_cast %get3A_600 : vector<1x128x1xf32> to vector<128x1xf32>
    %sub3A_602 = arith.constant 1.000000e+00 : f32
    %sub3A_603 = vector.broadcast %sub3A_602 : f32 to vector<128x1xf32>
    %sub3A_604 = arith.subf %sub3A_603, %get3A_601 : vector<128x1xf32>
    %broadcast_in_dim3A_605 = vector.shape_cast %sub3A_604 : vector<128x1xf32> to vector<128x1xf32>
    %broadcast_in_dim3A_606 = vector.broadcast %broadcast_in_dim3A_605 : vector<128x1xf32> to vector<128x64xf32>
    %broadcast_in_dim3A_607 = vector.shape_cast %get3A_601 : vector<128x1xf32> to vector<128x1xf32>
    %broadcast_in_dim3A_608 = vector.broadcast %broadcast_in_dim3A_607 : vector<128x1xf32> to vector<128x64xf32>
    %concatenate3A_609 = tpu.concatenate %broadcast_in_dim3A_606, %broadcast_in_dim3A_608 in 1 : vector<128x64xf32>, vector<128x64xf32> -> vector<128x128xf32>
    %slice3A_610 = vector.extract_strided_slice %get3A_1 {offsets = [5120, 0], sizes = [128, 128], strides = [1, 1]} : vector<12800x128xf32> to vector<128x128xf32>
    %mul3A_611 = arith.mulf %slice3A_610, %concatenate3A_609 : vector<128x128xf32>
    %get3A_612 = arith.constant 0 : index
    %get3A_613 = arith.constant 0 : index
    %get3A_614 = arith.constant 41 : index
    %get3A_615 = vector.load %arg2[%get3A_612, %get3A_613, %get3A_614] : memref<1x128x100xf32, #tpu.memory_space<vmem>>, vector<1x128x1xf32>
    %get3A_616 = vector.shape_cast %get3A_615 : vector<1x128x1xf32> to vector<128x1xf32>
    %sub3A_617 = arith.constant 1.000000e+00 : f32
    %sub3A_618 = vector.broadcast %sub3A_617 : f32 to vector<128x1xf32>
    %sub3A_619 = arith.subf %sub3A_618, %get3A_616 : vector<128x1xf32>
    %broadcast_in_dim3A_620 = vector.shape_cast %sub3A_619 : vector<128x1xf32> to vector<128x1xf32>
    %broadcast_in_dim3A_621 = vector.broadcast %broadcast_in_dim3A_620 : vector<128x1xf32> to vector<128x64xf32>
    %broadcast_in_dim3A_622 = vector.shape_cast %get3A_616 : vector<128x1xf32> to vector<128x1xf32>
    %broadcast_in_dim3A_623 = vector.broadcast %broadcast_in_dim3A_622 : vector<128x1xf32> to vector<128x64xf32>
    %concatenate3A_624 = tpu.concatenate %broadcast_in_dim3A_621, %broadcast_in_dim3A_623 in 1 : vector<128x64xf32>, vector<128x64xf32> -> vector<128x128xf32>
    %slice3A_625 = vector.extract_strided_slice %get3A_1 {offsets = [5248, 0], sizes = [128, 128], strides = [1, 1]} : vector<12800x128xf32> to vector<128x128xf32>
    %mul3A_626 = arith.mulf %slice3A_625, %concatenate3A_624 : vector<128x128xf32>
    %get3A_627 = arith.constant 0 : index
    %get3A_628 = arith.constant 0 : index
    %get3A_629 = arith.constant 42 : index
    %get3A_630 = vector.load %arg2[%get3A_627, %get3A_628, %get3A_629] : memref<1x128x100xf32, #tpu.memory_space<vmem>>, vector<1x128x1xf32>
    %get3A_631 = vector.shape_cast %get3A_630 : vector<1x128x1xf32> to vector<128x1xf32>
    %sub3A_632 = arith.constant 1.000000e+00 : f32
    %sub3A_633 = vector.broadcast %sub3A_632 : f32 to vector<128x1xf32>
    %sub3A_634 = arith.subf %sub3A_633, %get3A_631 : vector<128x1xf32>
    %broadcast_in_dim3A_635 = vector.shape_cast %sub3A_634 : vector<128x1xf32> to vector<128x1xf32>
    %broadcast_in_dim3A_636 = vector.broadcast %broadcast_in_dim3A_635 : vector<128x1xf32> to vector<128x64xf32>
    %broadcast_in_dim3A_637 = vector.shape_cast %get3A_631 : vector<128x1xf32> to vector<128x1xf32>
    %broadcast_in_dim3A_638 = vector.broadcast %broadcast_in_dim3A_637 : vector<128x1xf32> to vector<128x64xf32>
    %concatenate3A_639 = tpu.concatenate %broadcast_in_dim3A_636, %broadcast_in_dim3A_638 in 1 : vector<128x64xf32>, vector<128x64xf32> -> vector<128x128xf32>
    %slice3A_640 = vector.extract_strided_slice %get3A_1 {offsets = [5376, 0], sizes = [128, 128], strides = [1, 1]} : vector<12800x128xf32> to vector<128x128xf32>
    %mul3A_641 = arith.mulf %slice3A_640, %concatenate3A_639 : vector<128x128xf32>
    %get3A_642 = arith.constant 0 : index
    %get3A_643 = arith.constant 0 : index
    %get3A_644 = arith.constant 43 : index
    %get3A_645 = vector.load %arg2[%get3A_642, %get3A_643, %get3A_644] : memref<1x128x100xf32, #tpu.memory_space<vmem>>, vector<1x128x1xf32>
    %get3A_646 = vector.shape_cast %get3A_645 : vector<1x128x1xf32> to vector<128x1xf32>
    %sub3A_647 = arith.constant 1.000000e+00 : f32
    %sub3A_648 = vector.broadcast %sub3A_647 : f32 to vector<128x1xf32>
    %sub3A_649 = arith.subf %sub3A_648, %get3A_646 : vector<128x1xf32>
    %broadcast_in_dim3A_650 = vector.shape_cast %sub3A_649 : vector<128x1xf32> to vector<128x1xf32>
    %broadcast_in_dim3A_651 = vector.broadcast %broadcast_in_dim3A_650 : vector<128x1xf32> to vector<128x64xf32>
    %broadcast_in_dim3A_652 = vector.shape_cast %get3A_646 : vector<128x1xf32> to vector<128x1xf32>
    %broadcast_in_dim3A_653 = vector.broadcast %broadcast_in_dim3A_652 : vector<128x1xf32> to vector<128x64xf32>
    %concatenate3A_654 = tpu.concatenate %broadcast_in_dim3A_651, %broadcast_in_dim3A_653 in 1 : vector<128x64xf32>, vector<128x64xf32> -> vector<128x128xf32>
    %slice3A_655 = vector.extract_strided_slice %get3A_1 {offsets = [5504, 0], sizes = [128, 128], strides = [1, 1]} : vector<12800x128xf32> to vector<128x128xf32>
    %mul3A_656 = arith.mulf %slice3A_655, %concatenate3A_654 : vector<128x128xf32>
    %get3A_657 = arith.constant 0 : index
    %get3A_658 = arith.constant 0 : index
    %get3A_659 = arith.constant 44 : index
    %get3A_660 = vector.load %arg2[%get3A_657, %get3A_658, %get3A_659] : memref<1x128x100xf32, #tpu.memory_space<vmem>>, vector<1x128x1xf32>
    %get3A_661 = vector.shape_cast %get3A_660 : vector<1x128x1xf32> to vector<128x1xf32>
    %sub3A_662 = arith.constant 1.000000e+00 : f32
    %sub3A_663 = vector.broadcast %sub3A_662 : f32 to vector<128x1xf32>
    %sub3A_664 = arith.subf %sub3A_663, %get3A_661 : vector<128x1xf32>
    %broadcast_in_dim3A_665 = vector.shape_cast %sub3A_664 : vector<128x1xf32> to vector<128x1xf32>
    %broadcast_in_dim3A_666 = vector.broadcast %broadcast_in_dim3A_665 : vector<128x1xf32> to vector<128x64xf32>
    %broadcast_in_dim3A_667 = vector.shape_cast %get3A_661 : vector<128x1xf32> to vector<128x1xf32>
    %broadcast_in_dim3A_668 = vector.broadcast %broadcast_in_dim3A_667 : vector<128x1xf32> to vector<128x64xf32>
    %concatenate3A_669 = tpu.concatenate %broadcast_in_dim3A_666, %broadcast_in_dim3A_668 in 1 : vector<128x64xf32>, vector<128x64xf32> -> vector<128x128xf32>
    %slice3A_670 = vector.extract_strided_slice %get3A_1 {offsets = [5632, 0], sizes = [128, 128], strides = [1, 1]} : vector<12800x128xf32> to vector<128x128xf32>
    %mul3A_671 = arith.mulf %slice3A_670, %concatenate3A_669 : vector<128x128xf32>
    %get3A_672 = arith.constant 0 : index
    %get3A_673 = arith.constant 0 : index
    %get3A_674 = arith.constant 45 : index
    %get3A_675 = vector.load %arg2[%get3A_672, %get3A_673, %get3A_674] : memref<1x128x100xf32, #tpu.memory_space<vmem>>, vector<1x128x1xf32>
    %get3A_676 = vector.shape_cast %get3A_675 : vector<1x128x1xf32> to vector<128x1xf32>
    %sub3A_677 = arith.constant 1.000000e+00 : f32
    %sub3A_678 = vector.broadcast %sub3A_677 : f32 to vector<128x1xf32>
    %sub3A_679 = arith.subf %sub3A_678, %get3A_676 : vector<128x1xf32>
    %broadcast_in_dim3A_680 = vector.shape_cast %sub3A_679 : vector<128x1xf32> to vector<128x1xf32>
    %broadcast_in_dim3A_681 = vector.broadcast %broadcast_in_dim3A_680 : vector<128x1xf32> to vector<128x64xf32>
    %broadcast_in_dim3A_682 = vector.shape_cast %get3A_676 : vector<128x1xf32> to vector<128x1xf32>
    %broadcast_in_dim3A_683 = vector.broadcast %broadcast_in_dim3A_682 : vector<128x1xf32> to vector<128x64xf32>
    %concatenate3A_684 = tpu.concatenate %broadcast_in_dim3A_681, %broadcast_in_dim3A_683 in 1 : vector<128x64xf32>, vector<128x64xf32> -> vector<128x128xf32>
    %slice3A_685 = vector.extract_strided_slice %get3A_1 {offsets = [5760, 0], sizes = [128, 128], strides = [1, 1]} : vector<12800x128xf32> to vector<128x128xf32>
    %mul3A_686 = arith.mulf %slice3A_685, %concatenate3A_684 : vector<128x128xf32>
    %get3A_687 = arith.constant 0 : index
    %get3A_688 = arith.constant 0 : index
    %get3A_689 = arith.constant 46 : index
    %get3A_690 = vector.load %arg2[%get3A_687, %get3A_688, %get3A_689] : memref<1x128x100xf32, #tpu.memory_space<vmem>>, vector<1x128x1xf32>
    %get3A_691 = vector.shape_cast %get3A_690 : vector<1x128x1xf32> to vector<128x1xf32>
    %sub3A_692 = arith.constant 1.000000e+00 : f32
    %sub3A_693 = vector.broadcast %sub3A_692 : f32 to vector<128x1xf32>
    %sub3A_694 = arith.subf %sub3A_693, %get3A_691 : vector<128x1xf32>
    %broadcast_in_dim3A_695 = vector.shape_cast %sub3A_694 : vector<128x1xf32> to vector<128x1xf32>
    %broadcast_in_dim3A_696 = vector.broadcast %broadcast_in_dim3A_695 : vector<128x1xf32> to vector<128x64xf32>
    %broadcast_in_dim3A_697 = vector.shape_cast %get3A_691 : vector<128x1xf32> to vector<128x1xf32>
    %broadcast_in_dim3A_698 = vector.broadcast %broadcast_in_dim3A_697 : vector<128x1xf32> to vector<128x64xf32>
    %concatenate3A_699 = tpu.concatenate %broadcast_in_dim3A_696, %broadcast_in_dim3A_698 in 1 : vector<128x64xf32>, vector<128x64xf32> -> vector<128x128xf32>
    %slice3A_700 = vector.extract_strided_slice %get3A_1 {offsets = [5888, 0], sizes = [128, 128], strides = [1, 1]} : vector<12800x128xf32> to vector<128x128xf32>
    %mul3A_701 = arith.mulf %slice3A_700, %concatenate3A_699 : vector<128x128xf32>
    %get3A_702 = arith.constant 0 : index
    %get3A_703 = arith.constant 0 : index
    %get3A_704 = arith.constant 47 : index
    %get3A_705 = vector.load %arg2[%get3A_702, %get3A_703, %get3A_704] : memref<1x128x100xf32, #tpu.memory_space<vmem>>, vector<1x128x1xf32>
    %get3A_706 = vector.shape_cast %get3A_705 : vector<1x128x1xf32> to vector<128x1xf32>
    %sub3A_707 = arith.constant 1.000000e+00 : f32
    %sub3A_708 = vector.broadcast %sub3A_707 : f32 to vector<128x1xf32>
    %sub3A_709 = arith.subf %sub3A_708, %get3A_706 : vector<128x1xf32>
    %broadcast_in_dim3A_710 = vector.shape_cast %sub3A_709 : vector<128x1xf32> to vector<128x1xf32>
    %broadcast_in_dim3A_711 = vector.broadcast %broadcast_in_dim3A_710 : vector<128x1xf32> to vector<128x64xf32>
    %broadcast_in_dim3A_712 = vector.shape_cast %get3A_706 : vector<128x1xf32> to vector<128x1xf32>
    %broadcast_in_dim3A_713 = vector.broadcast %broadcast_in_dim3A_712 : vector<128x1xf32> to vector<128x64xf32>
    %concatenate3A_714 = tpu.concatenate %broadcast_in_dim3A_711, %broadcast_in_dim3A_713 in 1 : vector<128x64xf32>, vector<128x64xf32> -> vector<128x128xf32>
    %slice3A_715 = vector.extract_strided_slice %get3A_1 {offsets = [6016, 0], sizes = [128, 128], strides = [1, 1]} : vector<12800x128xf32> to vector<128x128xf32>
    %mul3A_716 = arith.mulf %slice3A_715, %concatenate3A_714 : vector<128x128xf32>
    %get3A_717 = arith.constant 0 : index
    %get3A_718 = arith.constant 0 : index
    %get3A_719 = arith.constant 48 : index
    %get3A_720 = vector.load %arg2[%get3A_717, %get3A_718, %get3A_719] : memref<1x128x100xf32, #tpu.memory_space<vmem>>, vector<1x128x1xf32>
    %get3A_721 = vector.shape_cast %get3A_720 : vector<1x128x1xf32> to vector<128x1xf32>
    %sub3A_722 = arith.constant 1.000000e+00 : f32
    %sub3A_723 = vector.broadcast %sub3A_722 : f32 to vector<128x1xf32>
    %sub3A_724 = arith.subf %sub3A_723, %get3A_721 : vector<128x1xf32>
    %broadcast_in_dim3A_725 = vector.shape_cast %sub3A_724 : vector<128x1xf32> to vector<128x1xf32>
    %broadcast_in_dim3A_726 = vector.broadcast %broadcast_in_dim3A_725 : vector<128x1xf32> to vector<128x64xf32>
    %broadcast_in_dim3A_727 = vector.shape_cast %get3A_721 : vector<128x1xf32> to vector<128x1xf32>
    %broadcast_in_dim3A_728 = vector.broadcast %broadcast_in_dim3A_727 : vector<128x1xf32> to vector<128x64xf32>
    %concatenate3A_729 = tpu.concatenate %broadcast_in_dim3A_726, %broadcast_in_dim3A_728 in 1 : vector<128x64xf32>, vector<128x64xf32> -> vector<128x128xf32>
    %slice3A_730 = vector.extract_strided_slice %get3A_1 {offsets = [6144, 0], sizes = [128, 128], strides = [1, 1]} : vector<12800x128xf32> to vector<128x128xf32>
    %mul3A_731 = arith.mulf %slice3A_730, %concatenate3A_729 : vector<128x128xf32>
    %get3A_732 = arith.constant 0 : index
    %get3A_733 = arith.constant 0 : index
    %get3A_734 = arith.constant 49 : index
    %get3A_735 = vector.load %arg2[%get3A_732, %get3A_733, %get3A_734] : memref<1x128x100xf32, #tpu.memory_space<vmem>>, vector<1x128x1xf32>
    %get3A_736 = vector.shape_cast %get3A_735 : vector<1x128x1xf32> to vector<128x1xf32>
    %sub3A_737 = arith.constant 1.000000e+00 : f32
    %sub3A_738 = vector.broadcast %sub3A_737 : f32 to vector<128x1xf32>
    %sub3A_739 = arith.subf %sub3A_738, %get3A_736 : vector<128x1xf32>
    %broadcast_in_dim3A_740 = vector.shape_cast %sub3A_739 : vector<128x1xf32> to vector<128x1xf32>
    %broadcast_in_dim3A_741 = vector.broadcast %broadcast_in_dim3A_740 : vector<128x1xf32> to vector<128x64xf32>
    %broadcast_in_dim3A_742 = vector.shape_cast %get3A_736 : vector<128x1xf32> to vector<128x1xf32>
    %broadcast_in_dim3A_743 = vector.broadcast %broadcast_in_dim3A_742 : vector<128x1xf32> to vector<128x64xf32>
    %concatenate3A_744 = tpu.concatenate %broadcast_in_dim3A_741, %broadcast_in_dim3A_743 in 1 : vector<128x64xf32>, vector<128x64xf32> -> vector<128x128xf32>
    %slice3A_745 = vector.extract_strided_slice %get3A_1 {offsets = [6272, 0], sizes = [128, 128], strides = [1, 1]} : vector<12800x128xf32> to vector<128x128xf32>
    %mul3A_746 = arith.mulf %slice3A_745, %concatenate3A_744 : vector<128x128xf32>
    %get3A_747 = arith.constant 0 : index
    %get3A_748 = arith.constant 0 : index
    %get3A_749 = arith.constant 50 : index
    %get3A_750 = vector.load %arg2[%get3A_747, %get3A_748, %get3A_749] : memref<1x128x100xf32, #tpu.memory_space<vmem>>, vector<1x128x1xf32>
    %get3A_751 = vector.shape_cast %get3A_750 : vector<1x128x1xf32> to vector<128x1xf32>
    %sub3A_752 = arith.constant 1.000000e+00 : f32
    %sub3A_753 = vector.broadcast %sub3A_752 : f32 to vector<128x1xf32>
    %sub3A_754 = arith.subf %sub3A_753, %get3A_751 : vector<128x1xf32>
    %broadcast_in_dim3A_755 = vector.shape_cast %sub3A_754 : vector<128x1xf32> to vector<128x1xf32>
    %broadcast_in_dim3A_756 = vector.broadcast %broadcast_in_dim3A_755 : vector<128x1xf32> to vector<128x64xf32>
    %broadcast_in_dim3A_757 = vector.shape_cast %get3A_751 : vector<128x1xf32> to vector<128x1xf32>
    %broadcast_in_dim3A_758 = vector.broadcast %broadcast_in_dim3A_757 : vector<128x1xf32> to vector<128x64xf32>
    %concatenate3A_759 = tpu.concatenate %broadcast_in_dim3A_756, %broadcast_in_dim3A_758 in 1 : vector<128x64xf32>, vector<128x64xf32> -> vector<128x128xf32>
    %slice3A_760 = vector.extract_strided_slice %get3A_1 {offsets = [6400, 0], sizes = [128, 128], strides = [1, 1]} : vector<12800x128xf32> to vector<128x128xf32>
    %mul3A_761 = arith.mulf %slice3A_760, %concatenate3A_759 : vector<128x128xf32>
    %get3A_762 = arith.constant 0 : index
    %get3A_763 = arith.constant 0 : index
    %get3A_764 = arith.constant 51 : index
    %get3A_765 = vector.load %arg2[%get3A_762, %get3A_763, %get3A_764] : memref<1x128x100xf32, #tpu.memory_space<vmem>>, vector<1x128x1xf32>
    %get3A_766 = vector.shape_cast %get3A_765 : vector<1x128x1xf32> to vector<128x1xf32>
    %sub3A_767 = arith.constant 1.000000e+00 : f32
    %sub3A_768 = vector.broadcast %sub3A_767 : f32 to vector<128x1xf32>
    %sub3A_769 = arith.subf %sub3A_768, %get3A_766 : vector<128x1xf32>
    %broadcast_in_dim3A_770 = vector.shape_cast %sub3A_769 : vector<128x1xf32> to vector<128x1xf32>
    %broadcast_in_dim3A_771 = vector.broadcast %broadcast_in_dim3A_770 : vector<128x1xf32> to vector<128x64xf32>
    %broadcast_in_dim3A_772 = vector.shape_cast %get3A_766 : vector<128x1xf32> to vector<128x1xf32>
    %broadcast_in_dim3A_773 = vector.broadcast %broadcast_in_dim3A_772 : vector<128x1xf32> to vector<128x64xf32>
    %concatenate3A_774 = tpu.concatenate %broadcast_in_dim3A_771, %broadcast_in_dim3A_773 in 1 : vector<128x64xf32>, vector<128x64xf32> -> vector<128x128xf32>
    %slice3A_775 = vector.extract_strided_slice %get3A_1 {offsets = [6528, 0], sizes = [128, 128], strides = [1, 1]} : vector<12800x128xf32> to vector<128x128xf32>
    %mul3A_776 = arith.mulf %slice3A_775, %concatenate3A_774 : vector<128x128xf32>
    %get3A_777 = arith.constant 0 : index
    %get3A_778 = arith.constant 0 : index
    %get3A_779 = arith.constant 52 : index
    %get3A_780 = vector.load %arg2[%get3A_777, %get3A_778, %get3A_779] : memref<1x128x100xf32, #tpu.memory_space<vmem>>, vector<1x128x1xf32>
    %get3A_781 = vector.shape_cast %get3A_780 : vector<1x128x1xf32> to vector<128x1xf32>
    %sub3A_782 = arith.constant 1.000000e+00 : f32
    %sub3A_783 = vector.broadcast %sub3A_782 : f32 to vector<128x1xf32>
    %sub3A_784 = arith.subf %sub3A_783, %get3A_781 : vector<128x1xf32>
    %broadcast_in_dim3A_785 = vector.shape_cast %sub3A_784 : vector<128x1xf32> to vector<128x1xf32>
    %broadcast_in_dim3A_786 = vector.broadcast %broadcast_in_dim3A_785 : vector<128x1xf32> to vector<128x64xf32>
    %broadcast_in_dim3A_787 = vector.shape_cast %get3A_781 : vector<128x1xf32> to vector<128x1xf32>
    %broadcast_in_dim3A_788 = vector.broadcast %broadcast_in_dim3A_787 : vector<128x1xf32> to vector<128x64xf32>
    %concatenate3A_789 = tpu.concatenate %broadcast_in_dim3A_786, %broadcast_in_dim3A_788 in 1 : vector<128x64xf32>, vector<128x64xf32> -> vector<128x128xf32>
    %slice3A_790 = vector.extract_strided_slice %get3A_1 {offsets = [6656, 0], sizes = [128, 128], strides = [1, 1]} : vector<12800x128xf32> to vector<128x128xf32>
    %mul3A_791 = arith.mulf %slice3A_790, %concatenate3A_789 : vector<128x128xf32>
    %get3A_792 = arith.constant 0 : index
    %get3A_793 = arith.constant 0 : index
    %get3A_794 = arith.constant 53 : index
    %get3A_795 = vector.load %arg2[%get3A_792, %get3A_793, %get3A_794] : memref<1x128x100xf32, #tpu.memory_space<vmem>>, vector<1x128x1xf32>
    %get3A_796 = vector.shape_cast %get3A_795 : vector<1x128x1xf32> to vector<128x1xf32>
    %sub3A_797 = arith.constant 1.000000e+00 : f32
    %sub3A_798 = vector.broadcast %sub3A_797 : f32 to vector<128x1xf32>
    %sub3A_799 = arith.subf %sub3A_798, %get3A_796 : vector<128x1xf32>
    %broadcast_in_dim3A_800 = vector.shape_cast %sub3A_799 : vector<128x1xf32> to vector<128x1xf32>
    %broadcast_in_dim3A_801 = vector.broadcast %broadcast_in_dim3A_800 : vector<128x1xf32> to vector<128x64xf32>
    %broadcast_in_dim3A_802 = vector.shape_cast %get3A_796 : vector<128x1xf32> to vector<128x1xf32>
    %broadcast_in_dim3A_803 = vector.broadcast %broadcast_in_dim3A_802 : vector<128x1xf32> to vector<128x64xf32>
    %concatenate3A_804 = tpu.concatenate %broadcast_in_dim3A_801, %broadcast_in_dim3A_803 in 1 : vector<128x64xf32>, vector<128x64xf32> -> vector<128x128xf32>
    %slice3A_805 = vector.extract_strided_slice %get3A_1 {offsets = [6784, 0], sizes = [128, 128], strides = [1, 1]} : vector<12800x128xf32> to vector<128x128xf32>
    %mul3A_806 = arith.mulf %slice3A_805, %concatenate3A_804 : vector<128x128xf32>
    %get3A_807 = arith.constant 0 : index
    %get3A_808 = arith.constant 0 : index
    %get3A_809 = arith.constant 54 : index
    %get3A_810 = vector.load %arg2[%get3A_807, %get3A_808, %get3A_809] : memref<1x128x100xf32, #tpu.memory_space<vmem>>, vector<1x128x1xf32>
    %get3A_811 = vector.shape_cast %get3A_810 : vector<1x128x1xf32> to vector<128x1xf32>
    %sub3A_812 = arith.constant 1.000000e+00 : f32
    %sub3A_813 = vector.broadcast %sub3A_812 : f32 to vector<128x1xf32>
    %sub3A_814 = arith.subf %sub3A_813, %get3A_811 : vector<128x1xf32>
    %broadcast_in_dim3A_815 = vector.shape_cast %sub3A_814 : vector<128x1xf32> to vector<128x1xf32>
    %broadcast_in_dim3A_816 = vector.broadcast %broadcast_in_dim3A_815 : vector<128x1xf32> to vector<128x64xf32>
    %broadcast_in_dim3A_817 = vector.shape_cast %get3A_811 : vector<128x1xf32> to vector<128x1xf32>
    %broadcast_in_dim3A_818 = vector.broadcast %broadcast_in_dim3A_817 : vector<128x1xf32> to vector<128x64xf32>
    %concatenate3A_819 = tpu.concatenate %broadcast_in_dim3A_816, %broadcast_in_dim3A_818 in 1 : vector<128x64xf32>, vector<128x64xf32> -> vector<128x128xf32>
    %slice3A_820 = vector.extract_strided_slice %get3A_1 {offsets = [6912, 0], sizes = [128, 128], strides = [1, 1]} : vector<12800x128xf32> to vector<128x128xf32>
    %mul3A_821 = arith.mulf %slice3A_820, %concatenate3A_819 : vector<128x128xf32>
    %get3A_822 = arith.constant 0 : index
    %get3A_823 = arith.constant 0 : index
    %get3A_824 = arith.constant 55 : index
    %get3A_825 = vector.load %arg2[%get3A_822, %get3A_823, %get3A_824] : memref<1x128x100xf32, #tpu.memory_space<vmem>>, vector<1x128x1xf32>
    %get3A_826 = vector.shape_cast %get3A_825 : vector<1x128x1xf32> to vector<128x1xf32>
    %sub3A_827 = arith.constant 1.000000e+00 : f32
    %sub3A_828 = vector.broadcast %sub3A_827 : f32 to vector<128x1xf32>
    %sub3A_829 = arith.subf %sub3A_828, %get3A_826 : vector<128x1xf32>
    %broadcast_in_dim3A_830 = vector.shape_cast %sub3A_829 : vector<128x1xf32> to vector<128x1xf32>
    %broadcast_in_dim3A_831 = vector.broadcast %broadcast_in_dim3A_830 : vector<128x1xf32> to vector<128x64xf32>
    %broadcast_in_dim3A_832 = vector.shape_cast %get3A_826 : vector<128x1xf32> to vector<128x1xf32>
    %broadcast_in_dim3A_833 = vector.broadcast %broadcast_in_dim3A_832 : vector<128x1xf32> to vector<128x64xf32>
    %concatenate3A_834 = tpu.concatenate %broadcast_in_dim3A_831, %broadcast_in_dim3A_833 in 1 : vector<128x64xf32>, vector<128x64xf32> -> vector<128x128xf32>
    %slice3A_835 = vector.extract_strided_slice %get3A_1 {offsets = [7040, 0], sizes = [128, 128], strides = [1, 1]} : vector<12800x128xf32> to vector<128x128xf32>
    %mul3A_836 = arith.mulf %slice3A_835, %concatenate3A_834 : vector<128x128xf32>
    %get3A_837 = arith.constant 0 : index
    %get3A_838 = arith.constant 0 : index
    %get3A_839 = arith.constant 56 : index
    %get3A_840 = vector.load %arg2[%get3A_837, %get3A_838, %get3A_839] : memref<1x128x100xf32, #tpu.memory_space<vmem>>, vector<1x128x1xf32>
    %get3A_841 = vector.shape_cast %get3A_840 : vector<1x128x1xf32> to vector<128x1xf32>
    %sub3A_842 = arith.constant 1.000000e+00 : f32
    %sub3A_843 = vector.broadcast %sub3A_842 : f32 to vector<128x1xf32>
    %sub3A_844 = arith.subf %sub3A_843, %get3A_841 : vector<128x1xf32>
    %broadcast_in_dim3A_845 = vector.shape_cast %sub3A_844 : vector<128x1xf32> to vector<128x1xf32>
    %broadcast_in_dim3A_846 = vector.broadcast %broadcast_in_dim3A_845 : vector<128x1xf32> to vector<128x64xf32>
    %broadcast_in_dim3A_847 = vector.shape_cast %get3A_841 : vector<128x1xf32> to vector<128x1xf32>
    %broadcast_in_dim3A_848 = vector.broadcast %broadcast_in_dim3A_847 : vector<128x1xf32> to vector<128x64xf32>
    %concatenate3A_849 = tpu.concatenate %broadcast_in_dim3A_846, %broadcast_in_dim3A_848 in 1 : vector<128x64xf32>, vector<128x64xf32> -> vector<128x128xf32>
    %slice3A_850 = vector.extract_strided_slice %get3A_1 {offsets = [7168, 0], sizes = [128, 128], strides = [1, 1]} : vector<12800x128xf32> to vector<128x128xf32>
    %mul3A_851 = arith.mulf %slice3A_850, %concatenate3A_849 : vector<128x128xf32>
    %get3A_852 = arith.constant 0 : index
    %get3A_853 = arith.constant 0 : index
    %get3A_854 = arith.constant 57 : index
    %get3A_855 = vector.load %arg2[%get3A_852, %get3A_853, %get3A_854] : memref<1x128x100xf32, #tpu.memory_space<vmem>>, vector<1x128x1xf32>
    %get3A_856 = vector.shape_cast %get3A_855 : vector<1x128x1xf32> to vector<128x1xf32>
    %sub3A_857 = arith.constant 1.000000e+00 : f32
    %sub3A_858 = vector.broadcast %sub3A_857 : f32 to vector<128x1xf32>
    %sub3A_859 = arith.subf %sub3A_858, %get3A_856 : vector<128x1xf32>
    %broadcast_in_dim3A_860 = vector.shape_cast %sub3A_859 : vector<128x1xf32> to vector<128x1xf32>
    %broadcast_in_dim3A_861 = vector.broadcast %broadcast_in_dim3A_860 : vector<128x1xf32> to vector<128x64xf32>
    %broadcast_in_dim3A_862 = vector.shape_cast %get3A_856 : vector<128x1xf32> to vector<128x1xf32>
    %broadcast_in_dim3A_863 = vector.broadcast %broadcast_in_dim3A_862 : vector<128x1xf32> to vector<128x64xf32>
    %concatenate3A_864 = tpu.concatenate %broadcast_in_dim3A_861, %broadcast_in_dim3A_863 in 1 : vector<128x64xf32>, vector<128x64xf32> -> vector<128x128xf32>
    %slice3A_865 = vector.extract_strided_slice %get3A_1 {offsets = [7296, 0], sizes = [128, 128], strides = [1, 1]} : vector<12800x128xf32> to vector<128x128xf32>
    %mul3A_866 = arith.mulf %slice3A_865, %concatenate3A_864 : vector<128x128xf32>
    %get3A_867 = arith.constant 0 : index
    %get3A_868 = arith.constant 0 : index
    %get3A_869 = arith.constant 58 : index
    %get3A_870 = vector.load %arg2[%get3A_867, %get3A_868, %get3A_869] : memref<1x128x100xf32, #tpu.memory_space<vmem>>, vector<1x128x1xf32>
    %get3A_871 = vector.shape_cast %get3A_870 : vector<1x128x1xf32> to vector<128x1xf32>
    %sub3A_872 = arith.constant 1.000000e+00 : f32
    %sub3A_873 = vector.broadcast %sub3A_872 : f32 to vector<128x1xf32>
    %sub3A_874 = arith.subf %sub3A_873, %get3A_871 : vector<128x1xf32>
    %broadcast_in_dim3A_875 = vector.shape_cast %sub3A_874 : vector<128x1xf32> to vector<128x1xf32>
    %broadcast_in_dim3A_876 = vector.broadcast %broadcast_in_dim3A_875 : vector<128x1xf32> to vector<128x64xf32>
    %broadcast_in_dim3A_877 = vector.shape_cast %get3A_871 : vector<128x1xf32> to vector<128x1xf32>
    %broadcast_in_dim3A_878 = vector.broadcast %broadcast_in_dim3A_877 : vector<128x1xf32> to vector<128x64xf32>
    %concatenate3A_879 = tpu.concatenate %broadcast_in_dim3A_876, %broadcast_in_dim3A_878 in 1 : vector<128x64xf32>, vector<128x64xf32> -> vector<128x128xf32>
    %slice3A_880 = vector.extract_strided_slice %get3A_1 {offsets = [7424, 0], sizes = [128, 128], strides = [1, 1]} : vector<12800x128xf32> to vector<128x128xf32>
    %mul3A_881 = arith.mulf %slice3A_880, %concatenate3A_879 : vector<128x128xf32>
    %get3A_882 = arith.constant 0 : index
    %get3A_883 = arith.constant 0 : index
    %get3A_884 = arith.constant 59 : index
    %get3A_885 = vector.load %arg2[%get3A_882, %get3A_883, %get3A_884] : memref<1x128x100xf32, #tpu.memory_space<vmem>>, vector<1x128x1xf32>
    %get3A_886 = vector.shape_cast %get3A_885 : vector<1x128x1xf32> to vector<128x1xf32>
    %sub3A_887 = arith.constant 1.000000e+00 : f32
    %sub3A_888 = vector.broadcast %sub3A_887 : f32 to vector<128x1xf32>
    %sub3A_889 = arith.subf %sub3A_888, %get3A_886 : vector<128x1xf32>
    %broadcast_in_dim3A_890 = vector.shape_cast %sub3A_889 : vector<128x1xf32> to vector<128x1xf32>
    %broadcast_in_dim3A_891 = vector.broadcast %broadcast_in_dim3A_890 : vector<128x1xf32> to vector<128x64xf32>
    %broadcast_in_dim3A_892 = vector.shape_cast %get3A_886 : vector<128x1xf32> to vector<128x1xf32>
    %broadcast_in_dim3A_893 = vector.broadcast %broadcast_in_dim3A_892 : vector<128x1xf32> to vector<128x64xf32>
    %concatenate3A_894 = tpu.concatenate %broadcast_in_dim3A_891, %broadcast_in_dim3A_893 in 1 : vector<128x64xf32>, vector<128x64xf32> -> vector<128x128xf32>
    %slice3A_895 = vector.extract_strided_slice %get3A_1 {offsets = [7552, 0], sizes = [128, 128], strides = [1, 1]} : vector<12800x128xf32> to vector<128x128xf32>
    %mul3A_896 = arith.mulf %slice3A_895, %concatenate3A_894 : vector<128x128xf32>
    %get3A_897 = arith.constant 0 : index
    %get3A_898 = arith.constant 0 : index
    %get3A_899 = arith.constant 60 : index
    %get3A_900 = vector.load %arg2[%get3A_897, %get3A_898, %get3A_899] : memref<1x128x100xf32, #tpu.memory_space<vmem>>, vector<1x128x1xf32>
    %get3A_901 = vector.shape_cast %get3A_900 : vector<1x128x1xf32> to vector<128x1xf32>
    %sub3A_902 = arith.constant 1.000000e+00 : f32
    %sub3A_903 = vector.broadcast %sub3A_902 : f32 to vector<128x1xf32>
    %sub3A_904 = arith.subf %sub3A_903, %get3A_901 : vector<128x1xf32>
    %broadcast_in_dim3A_905 = vector.shape_cast %sub3A_904 : vector<128x1xf32> to vector<128x1xf32>
    %broadcast_in_dim3A_906 = vector.broadcast %broadcast_in_dim3A_905 : vector<128x1xf32> to vector<128x64xf32>
    %broadcast_in_dim3A_907 = vector.shape_cast %get3A_901 : vector<128x1xf32> to vector<128x1xf32>
    %broadcast_in_dim3A_908 = vector.broadcast %broadcast_in_dim3A_907 : vector<128x1xf32> to vector<128x64xf32>
    %concatenate3A_909 = tpu.concatenate %broadcast_in_dim3A_906, %broadcast_in_dim3A_908 in 1 : vector<128x64xf32>, vector<128x64xf32> -> vector<128x128xf32>
    %slice3A_910 = vector.extract_strided_slice %get3A_1 {offsets = [7680, 0], sizes = [128, 128], strides = [1, 1]} : vector<12800x128xf32> to vector<128x128xf32>
    %mul3A_911 = arith.mulf %slice3A_910, %concatenate3A_909 : vector<128x128xf32>
    %get3A_912 = arith.constant 0 : index
    %get3A_913 = arith.constant 0 : index
    %get3A_914 = arith.constant 61 : index
    %get3A_915 = vector.load %arg2[%get3A_912, %get3A_913, %get3A_914] : memref<1x128x100xf32, #tpu.memory_space<vmem>>, vector<1x128x1xf32>
    %get3A_916 = vector.shape_cast %get3A_915 : vector<1x128x1xf32> to vector<128x1xf32>
    %sub3A_917 = arith.constant 1.000000e+00 : f32
    %sub3A_918 = vector.broadcast %sub3A_917 : f32 to vector<128x1xf32>
    %sub3A_919 = arith.subf %sub3A_918, %get3A_916 : vector<128x1xf32>
    %broadcast_in_dim3A_920 = vector.shape_cast %sub3A_919 : vector<128x1xf32> to vector<128x1xf32>
    %broadcast_in_dim3A_921 = vector.broadcast %broadcast_in_dim3A_920 : vector<128x1xf32> to vector<128x64xf32>
    %broadcast_in_dim3A_922 = vector.shape_cast %get3A_916 : vector<128x1xf32> to vector<128x1xf32>
    %broadcast_in_dim3A_923 = vector.broadcast %broadcast_in_dim3A_922 : vector<128x1xf32> to vector<128x64xf32>
    %concatenate3A_924 = tpu.concatenate %broadcast_in_dim3A_921, %broadcast_in_dim3A_923 in 1 : vector<128x64xf32>, vector<128x64xf32> -> vector<128x128xf32>
    %slice3A_925 = vector.extract_strided_slice %get3A_1 {offsets = [7808, 0], sizes = [128, 128], strides = [1, 1]} : vector<12800x128xf32> to vector<128x128xf32>
    %mul3A_926 = arith.mulf %slice3A_925, %concatenate3A_924 : vector<128x128xf32>
    %get3A_927 = arith.constant 0 : index
    %get3A_928 = arith.constant 0 : index
    %get3A_929 = arith.constant 62 : index
    %get3A_930 = vector.load %arg2[%get3A_927, %get3A_928, %get3A_929] : memref<1x128x100xf32, #tpu.memory_space<vmem>>, vector<1x128x1xf32>
    %get3A_931 = vector.shape_cast %get3A_930 : vector<1x128x1xf32> to vector<128x1xf32>
    %sub3A_932 = arith.constant 1.000000e+00 : f32
    %sub3A_933 = vector.broadcast %sub3A_932 : f32 to vector<128x1xf32>
    %sub3A_934 = arith.subf %sub3A_933, %get3A_931 : vector<128x1xf32>
    %broadcast_in_dim3A_935 = vector.shape_cast %sub3A_934 : vector<128x1xf32> to vector<128x1xf32>
    %broadcast_in_dim3A_936 = vector.broadcast %broadcast_in_dim3A_935 : vector<128x1xf32> to vector<128x64xf32>
    %broadcast_in_dim3A_937 = vector.shape_cast %get3A_931 : vector<128x1xf32> to vector<128x1xf32>
    %broadcast_in_dim3A_938 = vector.broadcast %broadcast_in_dim3A_937 : vector<128x1xf32> to vector<128x64xf32>
    %concatenate3A_939 = tpu.concatenate %broadcast_in_dim3A_936, %broadcast_in_dim3A_938 in 1 : vector<128x64xf32>, vector<128x64xf32> -> vector<128x128xf32>
    %slice3A_940 = vector.extract_strided_slice %get3A_1 {offsets = [7936, 0], sizes = [128, 128], strides = [1, 1]} : vector<12800x128xf32> to vector<128x128xf32>
    %mul3A_941 = arith.mulf %slice3A_940, %concatenate3A_939 : vector<128x128xf32>
    %get3A_942 = arith.constant 0 : index
    %get3A_943 = arith.constant 0 : index
    %get3A_944 = arith.constant 63 : index
    %get3A_945 = vector.load %arg2[%get3A_942, %get3A_943, %get3A_944] : memref<1x128x100xf32, #tpu.memory_space<vmem>>, vector<1x128x1xf32>
    %get3A_946 = vector.shape_cast %get3A_945 : vector<1x128x1xf32> to vector<128x1xf32>
    %sub3A_947 = arith.constant 1.000000e+00 : f32
    %sub3A_948 = vector.broadcast %sub3A_947 : f32 to vector<128x1xf32>
    %sub3A_949 = arith.subf %sub3A_948, %get3A_946 : vector<128x1xf32>
    %broadcast_in_dim3A_950 = vector.shape_cast %sub3A_949 : vector<128x1xf32> to vector<128x1xf32>
    %broadcast_in_dim3A_951 = vector.broadcast %broadcast_in_dim3A_950 : vector<128x1xf32> to vector<128x64xf32>
    %broadcast_in_dim3A_952 = vector.shape_cast %get3A_946 : vector<128x1xf32> to vector<128x1xf32>
    %broadcast_in_dim3A_953 = vector.broadcast %broadcast_in_dim3A_952 : vector<128x1xf32> to vector<128x64xf32>
    %concatenate3A_954 = tpu.concatenate %broadcast_in_dim3A_951, %broadcast_in_dim3A_953 in 1 : vector<128x64xf32>, vector<128x64xf32> -> vector<128x128xf32>
    %slice3A_955 = vector.extract_strided_slice %get3A_1 {offsets = [8064, 0], sizes = [128, 128], strides = [1, 1]} : vector<12800x128xf32> to vector<128x128xf32>
    %mul3A_956 = arith.mulf %slice3A_955, %concatenate3A_954 : vector<128x128xf32>
    %get3A_957 = arith.constant 0 : index
    %get3A_958 = arith.constant 0 : index
    %get3A_959 = arith.constant 64 : index
    %get3A_960 = vector.load %arg2[%get3A_957, %get3A_958, %get3A_959] : memref<1x128x100xf32, #tpu.memory_space<vmem>>, vector<1x128x1xf32>
    %get3A_961 = vector.shape_cast %get3A_960 : vector<1x128x1xf32> to vector<128x1xf32>
    %sub3A_962 = arith.constant 1.000000e+00 : f32
    %sub3A_963 = vector.broadcast %sub3A_962 : f32 to vector<128x1xf32>
    %sub3A_964 = arith.subf %sub3A_963, %get3A_961 : vector<128x1xf32>
    %broadcast_in_dim3A_965 = vector.shape_cast %sub3A_964 : vector<128x1xf32> to vector<128x1xf32>
    %broadcast_in_dim3A_966 = vector.broadcast %broadcast_in_dim3A_965 : vector<128x1xf32> to vector<128x64xf32>
    %broadcast_in_dim3A_967 = vector.shape_cast %get3A_961 : vector<128x1xf32> to vector<128x1xf32>
    %broadcast_in_dim3A_968 = vector.broadcast %broadcast_in_dim3A_967 : vector<128x1xf32> to vector<128x64xf32>
    %concatenate3A_969 = tpu.concatenate %broadcast_in_dim3A_966, %broadcast_in_dim3A_968 in 1 : vector<128x64xf32>, vector<128x64xf32> -> vector<128x128xf32>
    %slice3A_970 = vector.extract_strided_slice %get3A_1 {offsets = [8192, 0], sizes = [128, 128], strides = [1, 1]} : vector<12800x128xf32> to vector<128x128xf32>
    %mul3A_971 = arith.mulf %slice3A_970, %concatenate3A_969 : vector<128x128xf32>
    %get3A_972 = arith.constant 0 : index
    %get3A_973 = arith.constant 0 : index
    %get3A_974 = arith.constant 65 : index
    %get3A_975 = vector.load %arg2[%get3A_972, %get3A_973, %get3A_974] : memref<1x128x100xf32, #tpu.memory_space<vmem>>, vector<1x128x1xf32>
    %get3A_976 = vector.shape_cast %get3A_975 : vector<1x128x1xf32> to vector<128x1xf32>
    %sub3A_977 = arith.constant 1.000000e+00 : f32
    %sub3A_978 = vector.broadcast %sub3A_977 : f32 to vector<128x1xf32>
    %sub3A_979 = arith.subf %sub3A_978, %get3A_976 : vector<128x1xf32>
    %broadcast_in_dim3A_980 = vector.shape_cast %sub3A_979 : vector<128x1xf32> to vector<128x1xf32>
    %broadcast_in_dim3A_981 = vector.broadcast %broadcast_in_dim3A_980 : vector<128x1xf32> to vector<128x64xf32>
    %broadcast_in_dim3A_982 = vector.shape_cast %get3A_976 : vector<128x1xf32> to vector<128x1xf32>
    %broadcast_in_dim3A_983 = vector.broadcast %broadcast_in_dim3A_982 : vector<128x1xf32> to vector<128x64xf32>
    %concatenate3A_984 = tpu.concatenate %broadcast_in_dim3A_981, %broadcast_in_dim3A_983 in 1 : vector<128x64xf32>, vector<128x64xf32> -> vector<128x128xf32>
    %slice3A_985 = vector.extract_strided_slice %get3A_1 {offsets = [8320, 0], sizes = [128, 128], strides = [1, 1]} : vector<12800x128xf32> to vector<128x128xf32>
    %mul3A_986 = arith.mulf %slice3A_985, %concatenate3A_984 : vector<128x128xf32>
    %get3A_987 = arith.constant 0 : index
    %get3A_988 = arith.constant 0 : index
    %get3A_989 = arith.constant 66 : index
    %get3A_990 = vector.load %arg2[%get3A_987, %get3A_988, %get3A_989] : memref<1x128x100xf32, #tpu.memory_space<vmem>>, vector<1x128x1xf32>
    %get3A_991 = vector.shape_cast %get3A_990 : vector<1x128x1xf32> to vector<128x1xf32>
    %sub3A_992 = arith.constant 1.000000e+00 : f32
    %sub3A_993 = vector.broadcast %sub3A_992 : f32 to vector<128x1xf32>
    %sub3A_994 = arith.subf %sub3A_993, %get3A_991 : vector<128x1xf32>
    %broadcast_in_dim3A_995 = vector.shape_cast %sub3A_994 : vector<128x1xf32> to vector<128x1xf32>
    %broadcast_in_dim3A_996 = vector.broadcast %broadcast_in_dim3A_995 : vector<128x1xf32> to vector<128x64xf32>
    %broadcast_in_dim3A_997 = vector.shape_cast %get3A_991 : vector<128x1xf32> to vector<128x1xf32>
    %broadcast_in_dim3A_998 = vector.broadcast %broadcast_in_dim3A_997 : vector<128x1xf32> to vector<128x64xf32>
    %concatenate3A_999 = tpu.concatenate %broadcast_in_dim3A_996, %broadcast_in_dim3A_998 in 1 : vector<128x64xf32>, vector<128x64xf32> -> vector<128x128xf32>
    %slice3A_1000 = vector.extract_strided_slice %get3A_1 {offsets = [8448, 0], sizes = [128, 128], strides = [1, 1]} : vector<12800x128xf32> to vector<128x128xf32>
    %mul3A_1001 = arith.mulf %slice3A_1000, %concatenate3A_999 : vector<128x128xf32>
    %get3A_1002 = arith.constant 0 : index
    %get3A_1003 = arith.constant 0 : index
    %get3A_1004 = arith.constant 67 : index
    %get3A_1005 = vector.load %arg2[%get3A_1002, %get3A_1003, %get3A_1004] : memref<1x128x100xf32, #tpu.memory_space<vmem>>, vector<1x128x1xf32>
    %get3A_1006 = vector.shape_cast %get3A_1005 : vector<1x128x1xf32> to vector<128x1xf32>
    %sub3A_1007 = arith.constant 1.000000e+00 : f32
    %sub3A_1008 = vector.broadcast %sub3A_1007 : f32 to vector<128x1xf32>
    %sub3A_1009 = arith.subf %sub3A_1008, %get3A_1006 : vector<128x1xf32>
    %broadcast_in_dim3A_1010 = vector.shape_cast %sub3A_1009 : vector<128x1xf32> to vector<128x1xf32>
    %broadcast_in_dim3A_1011 = vector.broadcast %broadcast_in_dim3A_1010 : vector<128x1xf32> to vector<128x64xf32>
    %broadcast_in_dim3A_1012 = vector.shape_cast %get3A_1006 : vector<128x1xf32> to vector<128x1xf32>
    %broadcast_in_dim3A_1013 = vector.broadcast %broadcast_in_dim3A_1012 : vector<128x1xf32> to vector<128x64xf32>
    %concatenate3A_1014 = tpu.concatenate %broadcast_in_dim3A_1011, %broadcast_in_dim3A_1013 in 1 : vector<128x64xf32>, vector<128x64xf32> -> vector<128x128xf32>
    %slice3A_1015 = vector.extract_strided_slice %get3A_1 {offsets = [8576, 0], sizes = [128, 128], strides = [1, 1]} : vector<12800x128xf32> to vector<128x128xf32>
    %mul3A_1016 = arith.mulf %slice3A_1015, %concatenate3A_1014 : vector<128x128xf32>
    %get3A_1017 = arith.constant 0 : index
    %get3A_1018 = arith.constant 0 : index
    %get3A_1019 = arith.constant 68 : index
    %get3A_1020 = vector.load %arg2[%get3A_1017, %get3A_1018, %get3A_1019] : memref<1x128x100xf32, #tpu.memory_space<vmem>>, vector<1x128x1xf32>
    %get3A_1021 = vector.shape_cast %get3A_1020 : vector<1x128x1xf32> to vector<128x1xf32>
    %sub3A_1022 = arith.constant 1.000000e+00 : f32
    %sub3A_1023 = vector.broadcast %sub3A_1022 : f32 to vector<128x1xf32>
    %sub3A_1024 = arith.subf %sub3A_1023, %get3A_1021 : vector<128x1xf32>
    %broadcast_in_dim3A_1025 = vector.shape_cast %sub3A_1024 : vector<128x1xf32> to vector<128x1xf32>
    %broadcast_in_dim3A_1026 = vector.broadcast %broadcast_in_dim3A_1025 : vector<128x1xf32> to vector<128x64xf32>
    %broadcast_in_dim3A_1027 = vector.shape_cast %get3A_1021 : vector<128x1xf32> to vector<128x1xf32>
    %broadcast_in_dim3A_1028 = vector.broadcast %broadcast_in_dim3A_1027 : vector<128x1xf32> to vector<128x64xf32>
    %concatenate3A_1029 = tpu.concatenate %broadcast_in_dim3A_1026, %broadcast_in_dim3A_1028 in 1 : vector<128x64xf32>, vector<128x64xf32> -> vector<128x128xf32>
    %slice3A_1030 = vector.extract_strided_slice %get3A_1 {offsets = [8704, 0], sizes = [128, 128], strides = [1, 1]} : vector<12800x128xf32> to vector<128x128xf32>
    %mul3A_1031 = arith.mulf %slice3A_1030, %concatenate3A_1029 : vector<128x128xf32>
    %get3A_1032 = arith.constant 0 : index
    %get3A_1033 = arith.constant 0 : index
    %get3A_1034 = arith.constant 69 : index
    %get3A_1035 = vector.load %arg2[%get3A_1032, %get3A_1033, %get3A_1034] : memref<1x128x100xf32, #tpu.memory_space<vmem>>, vector<1x128x1xf32>
    %get3A_1036 = vector.shape_cast %get3A_1035 : vector<1x128x1xf32> to vector<128x1xf32>
    %sub3A_1037 = arith.constant 1.000000e+00 : f32
    %sub3A_1038 = vector.broadcast %sub3A_1037 : f32 to vector<128x1xf32>
    %sub3A_1039 = arith.subf %sub3A_1038, %get3A_1036 : vector<128x1xf32>
    %broadcast_in_dim3A_1040 = vector.shape_cast %sub3A_1039 : vector<128x1xf32> to vector<128x1xf32>
    %broadcast_in_dim3A_1041 = vector.broadcast %broadcast_in_dim3A_1040 : vector<128x1xf32> to vector<128x64xf32>
    %broadcast_in_dim3A_1042 = vector.shape_cast %get3A_1036 : vector<128x1xf32> to vector<128x1xf32>
    %broadcast_in_dim3A_1043 = vector.broadcast %broadcast_in_dim3A_1042 : vector<128x1xf32> to vector<128x64xf32>
    %concatenate3A_1044 = tpu.concatenate %broadcast_in_dim3A_1041, %broadcast_in_dim3A_1043 in 1 : vector<128x64xf32>, vector<128x64xf32> -> vector<128x128xf32>
    %slice3A_1045 = vector.extract_strided_slice %get3A_1 {offsets = [8832, 0], sizes = [128, 128], strides = [1, 1]} : vector<12800x128xf32> to vector<128x128xf32>
    %mul3A_1046 = arith.mulf %slice3A_1045, %concatenate3A_1044 : vector<128x128xf32>
    %get3A_1047 = arith.constant 0 : index
    %get3A_1048 = arith.constant 0 : index
    %get3A_1049 = arith.constant 70 : index
    %get3A_1050 = vector.load %arg2[%get3A_1047, %get3A_1048, %get3A_1049] : memref<1x128x100xf32, #tpu.memory_space<vmem>>, vector<1x128x1xf32>
    %get3A_1051 = vector.shape_cast %get3A_1050 : vector<1x128x1xf32> to vector<128x1xf32>
    %sub3A_1052 = arith.constant 1.000000e+00 : f32
    %sub3A_1053 = vector.broadcast %sub3A_1052 : f32 to vector<128x1xf32>
    %sub3A_1054 = arith.subf %sub3A_1053, %get3A_1051 : vector<128x1xf32>
    %broadcast_in_dim3A_1055 = vector.shape_cast %sub3A_1054 : vector<128x1xf32> to vector<128x1xf32>
    %broadcast_in_dim3A_1056 = vector.broadcast %broadcast_in_dim3A_1055 : vector<128x1xf32> to vector<128x64xf32>
    %broadcast_in_dim3A_1057 = vector.shape_cast %get3A_1051 : vector<128x1xf32> to vector<128x1xf32>
    %broadcast_in_dim3A_1058 = vector.broadcast %broadcast_in_dim3A_1057 : vector<128x1xf32> to vector<128x64xf32>
    %concatenate3A_1059 = tpu.concatenate %broadcast_in_dim3A_1056, %broadcast_in_dim3A_1058 in 1 : vector<128x64xf32>, vector<128x64xf32> -> vector<128x128xf32>
    %slice3A_1060 = vector.extract_strided_slice %get3A_1 {offsets = [8960, 0], sizes = [128, 128], strides = [1, 1]} : vector<12800x128xf32> to vector<128x128xf32>
    %mul3A_1061 = arith.mulf %slice3A_1060, %concatenate3A_1059 : vector<128x128xf32>
    %get3A_1062 = arith.constant 0 : index
    %get3A_1063 = arith.constant 0 : index
    %get3A_1064 = arith.constant 71 : index
    %get3A_1065 = vector.load %arg2[%get3A_1062, %get3A_1063, %get3A_1064] : memref<1x128x100xf32, #tpu.memory_space<vmem>>, vector<1x128x1xf32>
    %get3A_1066 = vector.shape_cast %get3A_1065 : vector<1x128x1xf32> to vector<128x1xf32>
    %sub3A_1067 = arith.constant 1.000000e+00 : f32
    %sub3A_1068 = vector.broadcast %sub3A_1067 : f32 to vector<128x1xf32>
    %sub3A_1069 = arith.subf %sub3A_1068, %get3A_1066 : vector<128x1xf32>
    %broadcast_in_dim3A_1070 = vector.shape_cast %sub3A_1069 : vector<128x1xf32> to vector<128x1xf32>
    %broadcast_in_dim3A_1071 = vector.broadcast %broadcast_in_dim3A_1070 : vector<128x1xf32> to vector<128x64xf32>
    %broadcast_in_dim3A_1072 = vector.shape_cast %get3A_1066 : vector<128x1xf32> to vector<128x1xf32>
    %broadcast_in_dim3A_1073 = vector.broadcast %broadcast_in_dim3A_1072 : vector<128x1xf32> to vector<128x64xf32>
    %concatenate3A_1074 = tpu.concatenate %broadcast_in_dim3A_1071, %broadcast_in_dim3A_1073 in 1 : vector<128x64xf32>, vector<128x64xf32> -> vector<128x128xf32>
    %slice3A_1075 = vector.extract_strided_slice %get3A_1 {offsets = [9088, 0], sizes = [128, 128], strides = [1, 1]} : vector<12800x128xf32> to vector<128x128xf32>
    %mul3A_1076 = arith.mulf %slice3A_1075, %concatenate3A_1074 : vector<128x128xf32>
    %get3A_1077 = arith.constant 0 : index
    %get3A_1078 = arith.constant 0 : index
    %get3A_1079 = arith.constant 72 : index
    %get3A_1080 = vector.load %arg2[%get3A_1077, %get3A_1078, %get3A_1079] : memref<1x128x100xf32, #tpu.memory_space<vmem>>, vector<1x128x1xf32>
    %get3A_1081 = vector.shape_cast %get3A_1080 : vector<1x128x1xf32> to vector<128x1xf32>
    %sub3A_1082 = arith.constant 1.000000e+00 : f32
    %sub3A_1083 = vector.broadcast %sub3A_1082 : f32 to vector<128x1xf32>
    %sub3A_1084 = arith.subf %sub3A_1083, %get3A_1081 : vector<128x1xf32>
    %broadcast_in_dim3A_1085 = vector.shape_cast %sub3A_1084 : vector<128x1xf32> to vector<128x1xf32>
    %broadcast_in_dim3A_1086 = vector.broadcast %broadcast_in_dim3A_1085 : vector<128x1xf32> to vector<128x64xf32>
    %broadcast_in_dim3A_1087 = vector.shape_cast %get3A_1081 : vector<128x1xf32> to vector<128x1xf32>
    %broadcast_in_dim3A_1088 = vector.broadcast %broadcast_in_dim3A_1087 : vector<128x1xf32> to vector<128x64xf32>
    %concatenate3A_1089 = tpu.concatenate %broadcast_in_dim3A_1086, %broadcast_in_dim3A_1088 in 1 : vector<128x64xf32>, vector<128x64xf32> -> vector<128x128xf32>
    %slice3A_1090 = vector.extract_strided_slice %get3A_1 {offsets = [9216, 0], sizes = [128, 128], strides = [1, 1]} : vector<12800x128xf32> to vector<128x128xf32>
    %mul3A_1091 = arith.mulf %slice3A_1090, %concatenate3A_1089 : vector<128x128xf32>
    %get3A_1092 = arith.constant 0 : index
    %get3A_1093 = arith.constant 0 : index
    %get3A_1094 = arith.constant 73 : index
    %get3A_1095 = vector.load %arg2[%get3A_1092, %get3A_1093, %get3A_1094] : memref<1x128x100xf32, #tpu.memory_space<vmem>>, vector<1x128x1xf32>
    %get3A_1096 = vector.shape_cast %get3A_1095 : vector<1x128x1xf32> to vector<128x1xf32>
    %sub3A_1097 = arith.constant 1.000000e+00 : f32
    %sub3A_1098 = vector.broadcast %sub3A_1097 : f32 to vector<128x1xf32>
    %sub3A_1099 = arith.subf %sub3A_1098, %get3A_1096 : vector<128x1xf32>
    %broadcast_in_dim3A_1100 = vector.shape_cast %sub3A_1099 : vector<128x1xf32> to vector<128x1xf32>
    %broadcast_in_dim3A_1101 = vector.broadcast %broadcast_in_dim3A_1100 : vector<128x1xf32> to vector<128x64xf32>
    %broadcast_in_dim3A_1102 = vector.shape_cast %get3A_1096 : vector<128x1xf32> to vector<128x1xf32>
    %broadcast_in_dim3A_1103 = vector.broadcast %broadcast_in_dim3A_1102 : vector<128x1xf32> to vector<128x64xf32>
    %concatenate3A_1104 = tpu.concatenate %broadcast_in_dim3A_1101, %broadcast_in_dim3A_1103 in 1 : vector<128x64xf32>, vector<128x64xf32> -> vector<128x128xf32>
    %slice3A_1105 = vector.extract_strided_slice %get3A_1 {offsets = [9344, 0], sizes = [128, 128], strides = [1, 1]} : vector<12800x128xf32> to vector<128x128xf32>
    %mul3A_1106 = arith.mulf %slice3A_1105, %concatenate3A_1104 : vector<128x128xf32>
    %get3A_1107 = arith.constant 0 : index
    %get3A_1108 = arith.constant 0 : index
    %get3A_1109 = arith.constant 74 : index
    %get3A_1110 = vector.load %arg2[%get3A_1107, %get3A_1108, %get3A_1109] : memref<1x128x100xf32, #tpu.memory_space<vmem>>, vector<1x128x1xf32>
    %get3A_1111 = vector.shape_cast %get3A_1110 : vector<1x128x1xf32> to vector<128x1xf32>
    %sub3A_1112 = arith.constant 1.000000e+00 : f32
    %sub3A_1113 = vector.broadcast %sub3A_1112 : f32 to vector<128x1xf32>
    %sub3A_1114 = arith.subf %sub3A_1113, %get3A_1111 : vector<128x1xf32>
    %broadcast_in_dim3A_1115 = vector.shape_cast %sub3A_1114 : vector<128x1xf32> to vector<128x1xf32>
    %broadcast_in_dim3A_1116 = vector.broadcast %broadcast_in_dim3A_1115 : vector<128x1xf32> to vector<128x64xf32>
    %broadcast_in_dim3A_1117 = vector.shape_cast %get3A_1111 : vector<128x1xf32> to vector<128x1xf32>
    %broadcast_in_dim3A_1118 = vector.broadcast %broadcast_in_dim3A_1117 : vector<128x1xf32> to vector<128x64xf32>
    %concatenate3A_1119 = tpu.concatenate %broadcast_in_dim3A_1116, %broadcast_in_dim3A_1118 in 1 : vector<128x64xf32>, vector<128x64xf32> -> vector<128x128xf32>
    %slice3A_1120 = vector.extract_strided_slice %get3A_1 {offsets = [9472, 0], sizes = [128, 128], strides = [1, 1]} : vector<12800x128xf32> to vector<128x128xf32>
    %mul3A_1121 = arith.mulf %slice3A_1120, %concatenate3A_1119 : vector<128x128xf32>
    %get3A_1122 = arith.constant 0 : index
    %get3A_1123 = arith.constant 0 : index
    %get3A_1124 = arith.constant 75 : index
    %get3A_1125 = vector.load %arg2[%get3A_1122, %get3A_1123, %get3A_1124] : memref<1x128x100xf32, #tpu.memory_space<vmem>>, vector<1x128x1xf32>
    %get3A_1126 = vector.shape_cast %get3A_1125 : vector<1x128x1xf32> to vector<128x1xf32>
    %sub3A_1127 = arith.constant 1.000000e+00 : f32
    %sub3A_1128 = vector.broadcast %sub3A_1127 : f32 to vector<128x1xf32>
    %sub3A_1129 = arith.subf %sub3A_1128, %get3A_1126 : vector<128x1xf32>
    %broadcast_in_dim3A_1130 = vector.shape_cast %sub3A_1129 : vector<128x1xf32> to vector<128x1xf32>
    %broadcast_in_dim3A_1131 = vector.broadcast %broadcast_in_dim3A_1130 : vector<128x1xf32> to vector<128x64xf32>
    %broadcast_in_dim3A_1132 = vector.shape_cast %get3A_1126 : vector<128x1xf32> to vector<128x1xf32>
    %broadcast_in_dim3A_1133 = vector.broadcast %broadcast_in_dim3A_1132 : vector<128x1xf32> to vector<128x64xf32>
    %concatenate3A_1134 = tpu.concatenate %broadcast_in_dim3A_1131, %broadcast_in_dim3A_1133 in 1 : vector<128x64xf32>, vector<128x64xf32> -> vector<128x128xf32>
    %slice3A_1135 = vector.extract_strided_slice %get3A_1 {offsets = [9600, 0], sizes = [128, 128], strides = [1, 1]} : vector<12800x128xf32> to vector<128x128xf32>
    %mul3A_1136 = arith.mulf %slice3A_1135, %concatenate3A_1134 : vector<128x128xf32>
    %get3A_1137 = arith.constant 0 : index
    %get3A_1138 = arith.constant 0 : index
    %get3A_1139 = arith.constant 76 : index
    %get3A_1140 = vector.load %arg2[%get3A_1137, %get3A_1138, %get3A_1139] : memref<1x128x100xf32, #tpu.memory_space<vmem>>, vector<1x128x1xf32>
    %get3A_1141 = vector.shape_cast %get3A_1140 : vector<1x128x1xf32> to vector<128x1xf32>
    %sub3A_1142 = arith.constant 1.000000e+00 : f32
    %sub3A_1143 = vector.broadcast %sub3A_1142 : f32 to vector<128x1xf32>
    %sub3A_1144 = arith.subf %sub3A_1143, %get3A_1141 : vector<128x1xf32>
    %broadcast_in_dim3A_1145 = vector.shape_cast %sub3A_1144 : vector<128x1xf32> to vector<128x1xf32>
    %broadcast_in_dim3A_1146 = vector.broadcast %broadcast_in_dim3A_1145 : vector<128x1xf32> to vector<128x64xf32>
    %broadcast_in_dim3A_1147 = vector.shape_cast %get3A_1141 : vector<128x1xf32> to vector<128x1xf32>
    %broadcast_in_dim3A_1148 = vector.broadcast %broadcast_in_dim3A_1147 : vector<128x1xf32> to vector<128x64xf32>
    %concatenate3A_1149 = tpu.concatenate %broadcast_in_dim3A_1146, %broadcast_in_dim3A_1148 in 1 : vector<128x64xf32>, vector<128x64xf32> -> vector<128x128xf32>
    %slice3A_1150 = vector.extract_strided_slice %get3A_1 {offsets = [9728, 0], sizes = [128, 128], strides = [1, 1]} : vector<12800x128xf32> to vector<128x128xf32>
    %mul3A_1151 = arith.mulf %slice3A_1150, %concatenate3A_1149 : vector<128x128xf32>
    %get3A_1152 = arith.constant 0 : index
    %get3A_1153 = arith.constant 0 : index
    %get3A_1154 = arith.constant 77 : index
    %get3A_1155 = vector.load %arg2[%get3A_1152, %get3A_1153, %get3A_1154] : memref<1x128x100xf32, #tpu.memory_space<vmem>>, vector<1x128x1xf32>
    %get3A_1156 = vector.shape_cast %get3A_1155 : vector<1x128x1xf32> to vector<128x1xf32>
    %sub3A_1157 = arith.constant 1.000000e+00 : f32
    %sub3A_1158 = vector.broadcast %sub3A_1157 : f32 to vector<128x1xf32>
    %sub3A_1159 = arith.subf %sub3A_1158, %get3A_1156 : vector<128x1xf32>
    %broadcast_in_dim3A_1160 = vector.shape_cast %sub3A_1159 : vector<128x1xf32> to vector<128x1xf32>
    %broadcast_in_dim3A_1161 = vector.broadcast %broadcast_in_dim3A_1160 : vector<128x1xf32> to vector<128x64xf32>
    %broadcast_in_dim3A_1162 = vector.shape_cast %get3A_1156 : vector<128x1xf32> to vector<128x1xf32>
    %broadcast_in_dim3A_1163 = vector.broadcast %broadcast_in_dim3A_1162 : vector<128x1xf32> to vector<128x64xf32>
    %concatenate3A_1164 = tpu.concatenate %broadcast_in_dim3A_1161, %broadcast_in_dim3A_1163 in 1 : vector<128x64xf32>, vector<128x64xf32> -> vector<128x128xf32>
    %slice3A_1165 = vector.extract_strided_slice %get3A_1 {offsets = [9856, 0], sizes = [128, 128], strides = [1, 1]} : vector<12800x128xf32> to vector<128x128xf32>
    %mul3A_1166 = arith.mulf %slice3A_1165, %concatenate3A_1164 : vector<128x128xf32>
    %get3A_1167 = arith.constant 0 : index
    %get3A_1168 = arith.constant 0 : index
    %get3A_1169 = arith.constant 78 : index
    %get3A_1170 = vector.load %arg2[%get3A_1167, %get3A_1168, %get3A_1169] : memref<1x128x100xf32, #tpu.memory_space<vmem>>, vector<1x128x1xf32>
    %get3A_1171 = vector.shape_cast %get3A_1170 : vector<1x128x1xf32> to vector<128x1xf32>
    %sub3A_1172 = arith.constant 1.000000e+00 : f32
    %sub3A_1173 = vector.broadcast %sub3A_1172 : f32 to vector<128x1xf32>
    %sub3A_1174 = arith.subf %sub3A_1173, %get3A_1171 : vector<128x1xf32>
    %broadcast_in_dim3A_1175 = vector.shape_cast %sub3A_1174 : vector<128x1xf32> to vector<128x1xf32>
    %broadcast_in_dim3A_1176 = vector.broadcast %broadcast_in_dim3A_1175 : vector<128x1xf32> to vector<128x64xf32>
    %broadcast_in_dim3A_1177 = vector.shape_cast %get3A_1171 : vector<128x1xf32> to vector<128x1xf32>
    %broadcast_in_dim3A_1178 = vector.broadcast %broadcast_in_dim3A_1177 : vector<128x1xf32> to vector<128x64xf32>
    %concatenate3A_1179 = tpu.concatenate %broadcast_in_dim3A_1176, %broadcast_in_dim3A_1178 in 1 : vector<128x64xf32>, vector<128x64xf32> -> vector<128x128xf32>
    %slice3A_1180 = vector.extract_strided_slice %get3A_1 {offsets = [9984, 0], sizes = [128, 128], strides = [1, 1]} : vector<12800x128xf32> to vector<128x128xf32>
    %mul3A_1181 = arith.mulf %slice3A_1180, %concatenate3A_1179 : vector<128x128xf32>
    %get3A_1182 = arith.constant 0 : index
    %get3A_1183 = arith.constant 0 : index
    %get3A_1184 = arith.constant 79 : index
    %get3A_1185 = vector.load %arg2[%get3A_1182, %get3A_1183, %get3A_1184] : memref<1x128x100xf32, #tpu.memory_space<vmem>>, vector<1x128x1xf32>
    %get3A_1186 = vector.shape_cast %get3A_1185 : vector<1x128x1xf32> to vector<128x1xf32>
    %sub3A_1187 = arith.constant 1.000000e+00 : f32
    %sub3A_1188 = vector.broadcast %sub3A_1187 : f32 to vector<128x1xf32>
    %sub3A_1189 = arith.subf %sub3A_1188, %get3A_1186 : vector<128x1xf32>
    %broadcast_in_dim3A_1190 = vector.shape_cast %sub3A_1189 : vector<128x1xf32> to vector<128x1xf32>
    %broadcast_in_dim3A_1191 = vector.broadcast %broadcast_in_dim3A_1190 : vector<128x1xf32> to vector<128x64xf32>
    %broadcast_in_dim3A_1192 = vector.shape_cast %get3A_1186 : vector<128x1xf32> to vector<128x1xf32>
    %broadcast_in_dim3A_1193 = vector.broadcast %broadcast_in_dim3A_1192 : vector<128x1xf32> to vector<128x64xf32>
    %concatenate3A_1194 = tpu.concatenate %broadcast_in_dim3A_1191, %broadcast_in_dim3A_1193 in 1 : vector<128x64xf32>, vector<128x64xf32> -> vector<128x128xf32>
    %slice3A_1195 = vector.extract_strided_slice %get3A_1 {offsets = [10112, 0], sizes = [128, 128], strides = [1, 1]} : vector<12800x128xf32> to vector<128x128xf32>
    %mul3A_1196 = arith.mulf %slice3A_1195, %concatenate3A_1194 : vector<128x128xf32>
    %get3A_1197 = arith.constant 0 : index
    %get3A_1198 = arith.constant 0 : index
    %get3A_1199 = arith.constant 80 : index
    %get3A_1200 = vector.load %arg2[%get3A_1197, %get3A_1198, %get3A_1199] : memref<1x128x100xf32, #tpu.memory_space<vmem>>, vector<1x128x1xf32>
    %get3A_1201 = vector.shape_cast %get3A_1200 : vector<1x128x1xf32> to vector<128x1xf32>
    %sub3A_1202 = arith.constant 1.000000e+00 : f32
    %sub3A_1203 = vector.broadcast %sub3A_1202 : f32 to vector<128x1xf32>
    %sub3A_1204 = arith.subf %sub3A_1203, %get3A_1201 : vector<128x1xf32>
    %broadcast_in_dim3A_1205 = vector.shape_cast %sub3A_1204 : vector<128x1xf32> to vector<128x1xf32>
    %broadcast_in_dim3A_1206 = vector.broadcast %broadcast_in_dim3A_1205 : vector<128x1xf32> to vector<128x64xf32>
    %broadcast_in_dim3A_1207 = vector.shape_cast %get3A_1201 : vector<128x1xf32> to vector<128x1xf32>
    %broadcast_in_dim3A_1208 = vector.broadcast %broadcast_in_dim3A_1207 : vector<128x1xf32> to vector<128x64xf32>
    %concatenate3A_1209 = tpu.concatenate %broadcast_in_dim3A_1206, %broadcast_in_dim3A_1208 in 1 : vector<128x64xf32>, vector<128x64xf32> -> vector<128x128xf32>
    %slice3A_1210 = vector.extract_strided_slice %get3A_1 {offsets = [10240, 0], sizes = [128, 128], strides = [1, 1]} : vector<12800x128xf32> to vector<128x128xf32>
    %mul3A_1211 = arith.mulf %slice3A_1210, %concatenate3A_1209 : vector<128x128xf32>
    %get3A_1212 = arith.constant 0 : index
    %get3A_1213 = arith.constant 0 : index
    %get3A_1214 = arith.constant 81 : index
    %get3A_1215 = vector.load %arg2[%get3A_1212, %get3A_1213, %get3A_1214] : memref<1x128x100xf32, #tpu.memory_space<vmem>>, vector<1x128x1xf32>
    %get3A_1216 = vector.shape_cast %get3A_1215 : vector<1x128x1xf32> to vector<128x1xf32>
    %sub3A_1217 = arith.constant 1.000000e+00 : f32
    %sub3A_1218 = vector.broadcast %sub3A_1217 : f32 to vector<128x1xf32>
    %sub3A_1219 = arith.subf %sub3A_1218, %get3A_1216 : vector<128x1xf32>
    %broadcast_in_dim3A_1220 = vector.shape_cast %sub3A_1219 : vector<128x1xf32> to vector<128x1xf32>
    %broadcast_in_dim3A_1221 = vector.broadcast %broadcast_in_dim3A_1220 : vector<128x1xf32> to vector<128x64xf32>
    %broadcast_in_dim3A_1222 = vector.shape_cast %get3A_1216 : vector<128x1xf32> to vector<128x1xf32>
    %broadcast_in_dim3A_1223 = vector.broadcast %broadcast_in_dim3A_1222 : vector<128x1xf32> to vector<128x64xf32>
    %concatenate3A_1224 = tpu.concatenate %broadcast_in_dim3A_1221, %broadcast_in_dim3A_1223 in 1 : vector<128x64xf32>, vector<128x64xf32> -> vector<128x128xf32>
    %slice3A_1225 = vector.extract_strided_slice %get3A_1 {offsets = [10368, 0], sizes = [128, 128], strides = [1, 1]} : vector<12800x128xf32> to vector<128x128xf32>
    %mul3A_1226 = arith.mulf %slice3A_1225, %concatenate3A_1224 : vector<128x128xf32>
    %get3A_1227 = arith.constant 0 : index
    %get3A_1228 = arith.constant 0 : index
    %get3A_1229 = arith.constant 82 : index
    %get3A_1230 = vector.load %arg2[%get3A_1227, %get3A_1228, %get3A_1229] : memref<1x128x100xf32, #tpu.memory_space<vmem>>, vector<1x128x1xf32>
    %get3A_1231 = vector.shape_cast %get3A_1230 : vector<1x128x1xf32> to vector<128x1xf32>
    %sub3A_1232 = arith.constant 1.000000e+00 : f32
    %sub3A_1233 = vector.broadcast %sub3A_1232 : f32 to vector<128x1xf32>
    %sub3A_1234 = arith.subf %sub3A_1233, %get3A_1231 : vector<128x1xf32>
    %broadcast_in_dim3A_1235 = vector.shape_cast %sub3A_1234 : vector<128x1xf32> to vector<128x1xf32>
    %broadcast_in_dim3A_1236 = vector.broadcast %broadcast_in_dim3A_1235 : vector<128x1xf32> to vector<128x64xf32>
    %broadcast_in_dim3A_1237 = vector.shape_cast %get3A_1231 : vector<128x1xf32> to vector<128x1xf32>
    %broadcast_in_dim3A_1238 = vector.broadcast %broadcast_in_dim3A_1237 : vector<128x1xf32> to vector<128x64xf32>
    %concatenate3A_1239 = tpu.concatenate %broadcast_in_dim3A_1236, %broadcast_in_dim3A_1238 in 1 : vector<128x64xf32>, vector<128x64xf32> -> vector<128x128xf32>
    %slice3A_1240 = vector.extract_strided_slice %get3A_1 {offsets = [10496, 0], sizes = [128, 128], strides = [1, 1]} : vector<12800x128xf32> to vector<128x128xf32>
    %mul3A_1241 = arith.mulf %slice3A_1240, %concatenate3A_1239 : vector<128x128xf32>
    %get3A_1242 = arith.constant 0 : index
    %get3A_1243 = arith.constant 0 : index
    %get3A_1244 = arith.constant 83 : index
    %get3A_1245 = vector.load %arg2[%get3A_1242, %get3A_1243, %get3A_1244] : memref<1x128x100xf32, #tpu.memory_space<vmem>>, vector<1x128x1xf32>
    %get3A_1246 = vector.shape_cast %get3A_1245 : vector<1x128x1xf32> to vector<128x1xf32>
    %sub3A_1247 = arith.constant 1.000000e+00 : f32
    %sub3A_1248 = vector.broadcast %sub3A_1247 : f32 to vector<128x1xf32>
    %sub3A_1249 = arith.subf %sub3A_1248, %get3A_1246 : vector<128x1xf32>
    %broadcast_in_dim3A_1250 = vector.shape_cast %sub3A_1249 : vector<128x1xf32> to vector<128x1xf32>
    %broadcast_in_dim3A_1251 = vector.broadcast %broadcast_in_dim3A_1250 : vector<128x1xf32> to vector<128x64xf32>
    %broadcast_in_dim3A_1252 = vector.shape_cast %get3A_1246 : vector<128x1xf32> to vector<128x1xf32>
    %broadcast_in_dim3A_1253 = vector.broadcast %broadcast_in_dim3A_1252 : vector<128x1xf32> to vector<128x64xf32>
    %concatenate3A_1254 = tpu.concatenate %broadcast_in_dim3A_1251, %broadcast_in_dim3A_1253 in 1 : vector<128x64xf32>, vector<128x64xf32> -> vector<128x128xf32>
    %slice3A_1255 = vector.extract_strided_slice %get3A_1 {offsets = [10624, 0], sizes = [128, 128], strides = [1, 1]} : vector<12800x128xf32> to vector<128x128xf32>
    %mul3A_1256 = arith.mulf %slice3A_1255, %concatenate3A_1254 : vector<128x128xf32>
    %get3A_1257 = arith.constant 0 : index
    %get3A_1258 = arith.constant 0 : index
    %get3A_1259 = arith.constant 84 : index
    %get3A_1260 = vector.load %arg2[%get3A_1257, %get3A_1258, %get3A_1259] : memref<1x128x100xf32, #tpu.memory_space<vmem>>, vector<1x128x1xf32>
    %get3A_1261 = vector.shape_cast %get3A_1260 : vector<1x128x1xf32> to vector<128x1xf32>
    %sub3A_1262 = arith.constant 1.000000e+00 : f32
    %sub3A_1263 = vector.broadcast %sub3A_1262 : f32 to vector<128x1xf32>
    %sub3A_1264 = arith.subf %sub3A_1263, %get3A_1261 : vector<128x1xf32>
    %broadcast_in_dim3A_1265 = vector.shape_cast %sub3A_1264 : vector<128x1xf32> to vector<128x1xf32>
    %broadcast_in_dim3A_1266 = vector.broadcast %broadcast_in_dim3A_1265 : vector<128x1xf32> to vector<128x64xf32>
    %broadcast_in_dim3A_1267 = vector.shape_cast %get3A_1261 : vector<128x1xf32> to vector<128x1xf32>
    %broadcast_in_dim3A_1268 = vector.broadcast %broadcast_in_dim3A_1267 : vector<128x1xf32> to vector<128x64xf32>
    %concatenate3A_1269 = tpu.concatenate %broadcast_in_dim3A_1266, %broadcast_in_dim3A_1268 in 1 : vector<128x64xf32>, vector<128x64xf32> -> vector<128x128xf32>
    %slice3A_1270 = vector.extract_strided_slice %get3A_1 {offsets = [10752, 0], sizes = [128, 128], strides = [1, 1]} : vector<12800x128xf32> to vector<128x128xf32>
    %mul3A_1271 = arith.mulf %slice3A_1270, %concatenate3A_1269 : vector<128x128xf32>
    %get3A_1272 = arith.constant 0 : index
    %get3A_1273 = arith.constant 0 : index
    %get3A_1274 = arith.constant 85 : index
    %get3A_1275 = vector.load %arg2[%get3A_1272, %get3A_1273, %get3A_1274] : memref<1x128x100xf32, #tpu.memory_space<vmem>>, vector<1x128x1xf32>
    %get3A_1276 = vector.shape_cast %get3A_1275 : vector<1x128x1xf32> to vector<128x1xf32>
    %sub3A_1277 = arith.constant 1.000000e+00 : f32
    %sub3A_1278 = vector.broadcast %sub3A_1277 : f32 to vector<128x1xf32>
    %sub3A_1279 = arith.subf %sub3A_1278, %get3A_1276 : vector<128x1xf32>
    %broadcast_in_dim3A_1280 = vector.shape_cast %sub3A_1279 : vector<128x1xf32> to vector<128x1xf32>
    %broadcast_in_dim3A_1281 = vector.broadcast %broadcast_in_dim3A_1280 : vector<128x1xf32> to vector<128x64xf32>
    %broadcast_in_dim3A_1282 = vector.shape_cast %get3A_1276 : vector<128x1xf32> to vector<128x1xf32>
    %broadcast_in_dim3A_1283 = vector.broadcast %broadcast_in_dim3A_1282 : vector<128x1xf32> to vector<128x64xf32>
    %concatenate3A_1284 = tpu.concatenate %broadcast_in_dim3A_1281, %broadcast_in_dim3A_1283 in 1 : vector<128x64xf32>, vector<128x64xf32> -> vector<128x128xf32>
    %slice3A_1285 = vector.extract_strided_slice %get3A_1 {offsets = [10880, 0], sizes = [128, 128], strides = [1, 1]} : vector<12800x128xf32> to vector<128x128xf32>
    %mul3A_1286 = arith.mulf %slice3A_1285, %concatenate3A_1284 : vector<128x128xf32>
    %get3A_1287 = arith.constant 0 : index
    %get3A_1288 = arith.constant 0 : index
    %get3A_1289 = arith.constant 86 : index
    %get3A_1290 = vector.load %arg2[%get3A_1287, %get3A_1288, %get3A_1289] : memref<1x128x100xf32, #tpu.memory_space<vmem>>, vector<1x128x1xf32>
    %get3A_1291 = vector.shape_cast %get3A_1290 : vector<1x128x1xf32> to vector<128x1xf32>
    %sub3A_1292 = arith.constant 1.000000e+00 : f32
    %sub3A_1293 = vector.broadcast %sub3A_1292 : f32 to vector<128x1xf32>
    %sub3A_1294 = arith.subf %sub3A_1293, %get3A_1291 : vector<128x1xf32>
    %broadcast_in_dim3A_1295 = vector.shape_cast %sub3A_1294 : vector<128x1xf32> to vector<128x1xf32>
    %broadcast_in_dim3A_1296 = vector.broadcast %broadcast_in_dim3A_1295 : vector<128x1xf32> to vector<128x64xf32>
    %broadcast_in_dim3A_1297 = vector.shape_cast %get3A_1291 : vector<128x1xf32> to vector<128x1xf32>
    %broadcast_in_dim3A_1298 = vector.broadcast %broadcast_in_dim3A_1297 : vector<128x1xf32> to vector<128x64xf32>
    %concatenate3A_1299 = tpu.concatenate %broadcast_in_dim3A_1296, %broadcast_in_dim3A_1298 in 1 : vector<128x64xf32>, vector<128x64xf32> -> vector<128x128xf32>
    %slice3A_1300 = vector.extract_strided_slice %get3A_1 {offsets = [11008, 0], sizes = [128, 128], strides = [1, 1]} : vector<12800x128xf32> to vector<128x128xf32>
    %mul3A_1301 = arith.mulf %slice3A_1300, %concatenate3A_1299 : vector<128x128xf32>
    %get3A_1302 = arith.constant 0 : index
    %get3A_1303 = arith.constant 0 : index
    %get3A_1304 = arith.constant 87 : index
    %get3A_1305 = vector.load %arg2[%get3A_1302, %get3A_1303, %get3A_1304] : memref<1x128x100xf32, #tpu.memory_space<vmem>>, vector<1x128x1xf32>
    %get3A_1306 = vector.shape_cast %get3A_1305 : vector<1x128x1xf32> to vector<128x1xf32>
    %sub3A_1307 = arith.constant 1.000000e+00 : f32
    %sub3A_1308 = vector.broadcast %sub3A_1307 : f32 to vector<128x1xf32>
    %sub3A_1309 = arith.subf %sub3A_1308, %get3A_1306 : vector<128x1xf32>
    %broadcast_in_dim3A_1310 = vector.shape_cast %sub3A_1309 : vector<128x1xf32> to vector<128x1xf32>
    %broadcast_in_dim3A_1311 = vector.broadcast %broadcast_in_dim3A_1310 : vector<128x1xf32> to vector<128x64xf32>
    %broadcast_in_dim3A_1312 = vector.shape_cast %get3A_1306 : vector<128x1xf32> to vector<128x1xf32>
    %broadcast_in_dim3A_1313 = vector.broadcast %broadcast_in_dim3A_1312 : vector<128x1xf32> to vector<128x64xf32>
    %concatenate3A_1314 = tpu.concatenate %broadcast_in_dim3A_1311, %broadcast_in_dim3A_1313 in 1 : vector<128x64xf32>, vector<128x64xf32> -> vector<128x128xf32>
    %slice3A_1315 = vector.extract_strided_slice %get3A_1 {offsets = [11136, 0], sizes = [128, 128], strides = [1, 1]} : vector<12800x128xf32> to vector<128x128xf32>
    %mul3A_1316 = arith.mulf %slice3A_1315, %concatenate3A_1314 : vector<128x128xf32>
    %get3A_1317 = arith.constant 0 : index
    %get3A_1318 = arith.constant 0 : index
    %get3A_1319 = arith.constant 88 : index
    %get3A_1320 = vector.load %arg2[%get3A_1317, %get3A_1318, %get3A_1319] : memref<1x128x100xf32, #tpu.memory_space<vmem>>, vector<1x128x1xf32>
    %get3A_1321 = vector.shape_cast %get3A_1320 : vector<1x128x1xf32> to vector<128x1xf32>
    %sub3A_1322 = arith.constant 1.000000e+00 : f32
    %sub3A_1323 = vector.broadcast %sub3A_1322 : f32 to vector<128x1xf32>
    %sub3A_1324 = arith.subf %sub3A_1323, %get3A_1321 : vector<128x1xf32>
    %broadcast_in_dim3A_1325 = vector.shape_cast %sub3A_1324 : vector<128x1xf32> to vector<128x1xf32>
    %broadcast_in_dim3A_1326 = vector.broadcast %broadcast_in_dim3A_1325 : vector<128x1xf32> to vector<128x64xf32>
    %broadcast_in_dim3A_1327 = vector.shape_cast %get3A_1321 : vector<128x1xf32> to vector<128x1xf32>
    %broadcast_in_dim3A_1328 = vector.broadcast %broadcast_in_dim3A_1327 : vector<128x1xf32> to vector<128x64xf32>
    %concatenate3A_1329 = tpu.concatenate %broadcast_in_dim3A_1326, %broadcast_in_dim3A_1328 in 1 : vector<128x64xf32>, vector<128x64xf32> -> vector<128x128xf32>
    %slice3A_1330 = vector.extract_strided_slice %get3A_1 {offsets = [11264, 0], sizes = [128, 128], strides = [1, 1]} : vector<12800x128xf32> to vector<128x128xf32>
    %mul3A_1331 = arith.mulf %slice3A_1330, %concatenate3A_1329 : vector<128x128xf32>
    %get3A_1332 = arith.constant 0 : index
    %get3A_1333 = arith.constant 0 : index
    %get3A_1334 = arith.constant 89 : index
    %get3A_1335 = vector.load %arg2[%get3A_1332, %get3A_1333, %get3A_1334] : memref<1x128x100xf32, #tpu.memory_space<vmem>>, vector<1x128x1xf32>
    %get3A_1336 = vector.shape_cast %get3A_1335 : vector<1x128x1xf32> to vector<128x1xf32>
    %sub3A_1337 = arith.constant 1.000000e+00 : f32
    %sub3A_1338 = vector.broadcast %sub3A_1337 : f32 to vector<128x1xf32>
    %sub3A_1339 = arith.subf %sub3A_1338, %get3A_1336 : vector<128x1xf32>
    %broadcast_in_dim3A_1340 = vector.shape_cast %sub3A_1339 : vector<128x1xf32> to vector<128x1xf32>
    %broadcast_in_dim3A_1341 = vector.broadcast %broadcast_in_dim3A_1340 : vector<128x1xf32> to vector<128x64xf32>
    %broadcast_in_dim3A_1342 = vector.shape_cast %get3A_1336 : vector<128x1xf32> to vector<128x1xf32>
    %broadcast_in_dim3A_1343 = vector.broadcast %broadcast_in_dim3A_1342 : vector<128x1xf32> to vector<128x64xf32>
    %concatenate3A_1344 = tpu.concatenate %broadcast_in_dim3A_1341, %broadcast_in_dim3A_1343 in 1 : vector<128x64xf32>, vector<128x64xf32> -> vector<128x128xf32>
    %slice3A_1345 = vector.extract_strided_slice %get3A_1 {offsets = [11392, 0], sizes = [128, 128], strides = [1, 1]} : vector<12800x128xf32> to vector<128x128xf32>
    %mul3A_1346 = arith.mulf %slice3A_1345, %concatenate3A_1344 : vector<128x128xf32>
    %get3A_1347 = arith.constant 0 : index
    %get3A_1348 = arith.constant 0 : index
    %get3A_1349 = arith.constant 90 : index
    %get3A_1350 = vector.load %arg2[%get3A_1347, %get3A_1348, %get3A_1349] : memref<1x128x100xf32, #tpu.memory_space<vmem>>, vector<1x128x1xf32>
    %get3A_1351 = vector.shape_cast %get3A_1350 : vector<1x128x1xf32> to vector<128x1xf32>
    %sub3A_1352 = arith.constant 1.000000e+00 : f32
    %sub3A_1353 = vector.broadcast %sub3A_1352 : f32 to vector<128x1xf32>
    %sub3A_1354 = arith.subf %sub3A_1353, %get3A_1351 : vector<128x1xf32>
    %broadcast_in_dim3A_1355 = vector.shape_cast %sub3A_1354 : vector<128x1xf32> to vector<128x1xf32>
    %broadcast_in_dim3A_1356 = vector.broadcast %broadcast_in_dim3A_1355 : vector<128x1xf32> to vector<128x64xf32>
    %broadcast_in_dim3A_1357 = vector.shape_cast %get3A_1351 : vector<128x1xf32> to vector<128x1xf32>
    %broadcast_in_dim3A_1358 = vector.broadcast %broadcast_in_dim3A_1357 : vector<128x1xf32> to vector<128x64xf32>
    %concatenate3A_1359 = tpu.concatenate %broadcast_in_dim3A_1356, %broadcast_in_dim3A_1358 in 1 : vector<128x64xf32>, vector<128x64xf32> -> vector<128x128xf32>
    %slice3A_1360 = vector.extract_strided_slice %get3A_1 {offsets = [11520, 0], sizes = [128, 128], strides = [1, 1]} : vector<12800x128xf32> to vector<128x128xf32>
    %mul3A_1361 = arith.mulf %slice3A_1360, %concatenate3A_1359 : vector<128x128xf32>
    %get3A_1362 = arith.constant 0 : index
    %get3A_1363 = arith.constant 0 : index
    %get3A_1364 = arith.constant 91 : index
    %get3A_1365 = vector.load %arg2[%get3A_1362, %get3A_1363, %get3A_1364] : memref<1x128x100xf32, #tpu.memory_space<vmem>>, vector<1x128x1xf32>
    %get3A_1366 = vector.shape_cast %get3A_1365 : vector<1x128x1xf32> to vector<128x1xf32>
    %sub3A_1367 = arith.constant 1.000000e+00 : f32
    %sub3A_1368 = vector.broadcast %sub3A_1367 : f32 to vector<128x1xf32>
    %sub3A_1369 = arith.subf %sub3A_1368, %get3A_1366 : vector<128x1xf32>
    %broadcast_in_dim3A_1370 = vector.shape_cast %sub3A_1369 : vector<128x1xf32> to vector<128x1xf32>
    %broadcast_in_dim3A_1371 = vector.broadcast %broadcast_in_dim3A_1370 : vector<128x1xf32> to vector<128x64xf32>
    %broadcast_in_dim3A_1372 = vector.shape_cast %get3A_1366 : vector<128x1xf32> to vector<128x1xf32>
    %broadcast_in_dim3A_1373 = vector.broadcast %broadcast_in_dim3A_1372 : vector<128x1xf32> to vector<128x64xf32>
    %concatenate3A_1374 = tpu.concatenate %broadcast_in_dim3A_1371, %broadcast_in_dim3A_1373 in 1 : vector<128x64xf32>, vector<128x64xf32> -> vector<128x128xf32>
    %slice3A_1375 = vector.extract_strided_slice %get3A_1 {offsets = [11648, 0], sizes = [128, 128], strides = [1, 1]} : vector<12800x128xf32> to vector<128x128xf32>
    %mul3A_1376 = arith.mulf %slice3A_1375, %concatenate3A_1374 : vector<128x128xf32>
    %get3A_1377 = arith.constant 0 : index
    %get3A_1378 = arith.constant 0 : index
    %get3A_1379 = arith.constant 92 : index
    %get3A_1380 = vector.load %arg2[%get3A_1377, %get3A_1378, %get3A_1379] : memref<1x128x100xf32, #tpu.memory_space<vmem>>, vector<1x128x1xf32>
    %get3A_1381 = vector.shape_cast %get3A_1380 : vector<1x128x1xf32> to vector<128x1xf32>
    %sub3A_1382 = arith.constant 1.000000e+00 : f32
    %sub3A_1383 = vector.broadcast %sub3A_1382 : f32 to vector<128x1xf32>
    %sub3A_1384 = arith.subf %sub3A_1383, %get3A_1381 : vector<128x1xf32>
    %broadcast_in_dim3A_1385 = vector.shape_cast %sub3A_1384 : vector<128x1xf32> to vector<128x1xf32>
    %broadcast_in_dim3A_1386 = vector.broadcast %broadcast_in_dim3A_1385 : vector<128x1xf32> to vector<128x64xf32>
    %broadcast_in_dim3A_1387 = vector.shape_cast %get3A_1381 : vector<128x1xf32> to vector<128x1xf32>
    %broadcast_in_dim3A_1388 = vector.broadcast %broadcast_in_dim3A_1387 : vector<128x1xf32> to vector<128x64xf32>
    %concatenate3A_1389 = tpu.concatenate %broadcast_in_dim3A_1386, %broadcast_in_dim3A_1388 in 1 : vector<128x64xf32>, vector<128x64xf32> -> vector<128x128xf32>
    %slice3A_1390 = vector.extract_strided_slice %get3A_1 {offsets = [11776, 0], sizes = [128, 128], strides = [1, 1]} : vector<12800x128xf32> to vector<128x128xf32>
    %mul3A_1391 = arith.mulf %slice3A_1390, %concatenate3A_1389 : vector<128x128xf32>
    %get3A_1392 = arith.constant 0 : index
    %get3A_1393 = arith.constant 0 : index
    %get3A_1394 = arith.constant 93 : index
    %get3A_1395 = vector.load %arg2[%get3A_1392, %get3A_1393, %get3A_1394] : memref<1x128x100xf32, #tpu.memory_space<vmem>>, vector<1x128x1xf32>
    %get3A_1396 = vector.shape_cast %get3A_1395 : vector<1x128x1xf32> to vector<128x1xf32>
    %sub3A_1397 = arith.constant 1.000000e+00 : f32
    %sub3A_1398 = vector.broadcast %sub3A_1397 : f32 to vector<128x1xf32>
    %sub3A_1399 = arith.subf %sub3A_1398, %get3A_1396 : vector<128x1xf32>
    %broadcast_in_dim3A_1400 = vector.shape_cast %sub3A_1399 : vector<128x1xf32> to vector<128x1xf32>
    %broadcast_in_dim3A_1401 = vector.broadcast %broadcast_in_dim3A_1400 : vector<128x1xf32> to vector<128x64xf32>
    %broadcast_in_dim3A_1402 = vector.shape_cast %get3A_1396 : vector<128x1xf32> to vector<128x1xf32>
    %broadcast_in_dim3A_1403 = vector.broadcast %broadcast_in_dim3A_1402 : vector<128x1xf32> to vector<128x64xf32>
    %concatenate3A_1404 = tpu.concatenate %broadcast_in_dim3A_1401, %broadcast_in_dim3A_1403 in 1 : vector<128x64xf32>, vector<128x64xf32> -> vector<128x128xf32>
    %slice3A_1405 = vector.extract_strided_slice %get3A_1 {offsets = [11904, 0], sizes = [128, 128], strides = [1, 1]} : vector<12800x128xf32> to vector<128x128xf32>
    %mul3A_1406 = arith.mulf %slice3A_1405, %concatenate3A_1404 : vector<128x128xf32>
    %get3A_1407 = arith.constant 0 : index
    %get3A_1408 = arith.constant 0 : index
    %get3A_1409 = arith.constant 94 : index
    %get3A_1410 = vector.load %arg2[%get3A_1407, %get3A_1408, %get3A_1409] : memref<1x128x100xf32, #tpu.memory_space<vmem>>, vector<1x128x1xf32>
    %get3A_1411 = vector.shape_cast %get3A_1410 : vector<1x128x1xf32> to vector<128x1xf32>
    %sub3A_1412 = arith.constant 1.000000e+00 : f32
    %sub3A_1413 = vector.broadcast %sub3A_1412 : f32 to vector<128x1xf32>
    %sub3A_1414 = arith.subf %sub3A_1413, %get3A_1411 : vector<128x1xf32>
    %broadcast_in_dim3A_1415 = vector.shape_cast %sub3A_1414 : vector<128x1xf32> to vector<128x1xf32>
    %broadcast_in_dim3A_1416 = vector.broadcast %broadcast_in_dim3A_1415 : vector<128x1xf32> to vector<128x64xf32>
    %broadcast_in_dim3A_1417 = vector.shape_cast %get3A_1411 : vector<128x1xf32> to vector<128x1xf32>
    %broadcast_in_dim3A_1418 = vector.broadcast %broadcast_in_dim3A_1417 : vector<128x1xf32> to vector<128x64xf32>
    %concatenate3A_1419 = tpu.concatenate %broadcast_in_dim3A_1416, %broadcast_in_dim3A_1418 in 1 : vector<128x64xf32>, vector<128x64xf32> -> vector<128x128xf32>
    %slice3A_1420 = vector.extract_strided_slice %get3A_1 {offsets = [12032, 0], sizes = [128, 128], strides = [1, 1]} : vector<12800x128xf32> to vector<128x128xf32>
    %mul3A_1421 = arith.mulf %slice3A_1420, %concatenate3A_1419 : vector<128x128xf32>
    %get3A_1422 = arith.constant 0 : index
    %get3A_1423 = arith.constant 0 : index
    %get3A_1424 = arith.constant 95 : index
    %get3A_1425 = vector.load %arg2[%get3A_1422, %get3A_1423, %get3A_1424] : memref<1x128x100xf32, #tpu.memory_space<vmem>>, vector<1x128x1xf32>
    %get3A_1426 = vector.shape_cast %get3A_1425 : vector<1x128x1xf32> to vector<128x1xf32>
    %sub3A_1427 = arith.constant 1.000000e+00 : f32
    %sub3A_1428 = vector.broadcast %sub3A_1427 : f32 to vector<128x1xf32>
    %sub3A_1429 = arith.subf %sub3A_1428, %get3A_1426 : vector<128x1xf32>
    %broadcast_in_dim3A_1430 = vector.shape_cast %sub3A_1429 : vector<128x1xf32> to vector<128x1xf32>
    %broadcast_in_dim3A_1431 = vector.broadcast %broadcast_in_dim3A_1430 : vector<128x1xf32> to vector<128x64xf32>
    %broadcast_in_dim3A_1432 = vector.shape_cast %get3A_1426 : vector<128x1xf32> to vector<128x1xf32>
    %broadcast_in_dim3A_1433 = vector.broadcast %broadcast_in_dim3A_1432 : vector<128x1xf32> to vector<128x64xf32>
    %concatenate3A_1434 = tpu.concatenate %broadcast_in_dim3A_1431, %broadcast_in_dim3A_1433 in 1 : vector<128x64xf32>, vector<128x64xf32> -> vector<128x128xf32>
    %slice3A_1435 = vector.extract_strided_slice %get3A_1 {offsets = [12160, 0], sizes = [128, 128], strides = [1, 1]} : vector<12800x128xf32> to vector<128x128xf32>
    %mul3A_1436 = arith.mulf %slice3A_1435, %concatenate3A_1434 : vector<128x128xf32>
    %get3A_1437 = arith.constant 0 : index
    %get3A_1438 = arith.constant 0 : index
    %get3A_1439 = arith.constant 96 : index
    %get3A_1440 = vector.load %arg2[%get3A_1437, %get3A_1438, %get3A_1439] : memref<1x128x100xf32, #tpu.memory_space<vmem>>, vector<1x128x1xf32>
    %get3A_1441 = vector.shape_cast %get3A_1440 : vector<1x128x1xf32> to vector<128x1xf32>
    %sub3A_1442 = arith.constant 1.000000e+00 : f32
    %sub3A_1443 = vector.broadcast %sub3A_1442 : f32 to vector<128x1xf32>
    %sub3A_1444 = arith.subf %sub3A_1443, %get3A_1441 : vector<128x1xf32>
    %broadcast_in_dim3A_1445 = vector.shape_cast %sub3A_1444 : vector<128x1xf32> to vector<128x1xf32>
    %broadcast_in_dim3A_1446 = vector.broadcast %broadcast_in_dim3A_1445 : vector<128x1xf32> to vector<128x64xf32>
    %broadcast_in_dim3A_1447 = vector.shape_cast %get3A_1441 : vector<128x1xf32> to vector<128x1xf32>
    %broadcast_in_dim3A_1448 = vector.broadcast %broadcast_in_dim3A_1447 : vector<128x1xf32> to vector<128x64xf32>
    %concatenate3A_1449 = tpu.concatenate %broadcast_in_dim3A_1446, %broadcast_in_dim3A_1448 in 1 : vector<128x64xf32>, vector<128x64xf32> -> vector<128x128xf32>
    %slice3A_1450 = vector.extract_strided_slice %get3A_1 {offsets = [12288, 0], sizes = [128, 128], strides = [1, 1]} : vector<12800x128xf32> to vector<128x128xf32>
    %mul3A_1451 = arith.mulf %slice3A_1450, %concatenate3A_1449 : vector<128x128xf32>
    %get3A_1452 = arith.constant 0 : index
    %get3A_1453 = arith.constant 0 : index
    %get3A_1454 = arith.constant 97 : index
    %get3A_1455 = vector.load %arg2[%get3A_1452, %get3A_1453, %get3A_1454] : memref<1x128x100xf32, #tpu.memory_space<vmem>>, vector<1x128x1xf32>
    %get3A_1456 = vector.shape_cast %get3A_1455 : vector<1x128x1xf32> to vector<128x1xf32>
    %sub3A_1457 = arith.constant 1.000000e+00 : f32
    %sub3A_1458 = vector.broadcast %sub3A_1457 : f32 to vector<128x1xf32>
    %sub3A_1459 = arith.subf %sub3A_1458, %get3A_1456 : vector<128x1xf32>
    %broadcast_in_dim3A_1460 = vector.shape_cast %sub3A_1459 : vector<128x1xf32> to vector<128x1xf32>
    %broadcast_in_dim3A_1461 = vector.broadcast %broadcast_in_dim3A_1460 : vector<128x1xf32> to vector<128x64xf32>
    %broadcast_in_dim3A_1462 = vector.shape_cast %get3A_1456 : vector<128x1xf32> to vector<128x1xf32>
    %broadcast_in_dim3A_1463 = vector.broadcast %broadcast_in_dim3A_1462 : vector<128x1xf32> to vector<128x64xf32>
    %concatenate3A_1464 = tpu.concatenate %broadcast_in_dim3A_1461, %broadcast_in_dim3A_1463 in 1 : vector<128x64xf32>, vector<128x64xf32> -> vector<128x128xf32>
    %slice3A_1465 = vector.extract_strided_slice %get3A_1 {offsets = [12416, 0], sizes = [128, 128], strides = [1, 1]} : vector<12800x128xf32> to vector<128x128xf32>
    %mul3A_1466 = arith.mulf %slice3A_1465, %concatenate3A_1464 : vector<128x128xf32>
    %get3A_1467 = arith.constant 0 : index
    %get3A_1468 = arith.constant 0 : index
    %get3A_1469 = arith.constant 98 : index
    %get3A_1470 = vector.load %arg2[%get3A_1467, %get3A_1468, %get3A_1469] : memref<1x128x100xf32, #tpu.memory_space<vmem>>, vector<1x128x1xf32>
    %get3A_1471 = vector.shape_cast %get3A_1470 : vector<1x128x1xf32> to vector<128x1xf32>
    %sub3A_1472 = arith.constant 1.000000e+00 : f32
    %sub3A_1473 = vector.broadcast %sub3A_1472 : f32 to vector<128x1xf32>
    %sub3A_1474 = arith.subf %sub3A_1473, %get3A_1471 : vector<128x1xf32>
    %broadcast_in_dim3A_1475 = vector.shape_cast %sub3A_1474 : vector<128x1xf32> to vector<128x1xf32>
    %broadcast_in_dim3A_1476 = vector.broadcast %broadcast_in_dim3A_1475 : vector<128x1xf32> to vector<128x64xf32>
    %broadcast_in_dim3A_1477 = vector.shape_cast %get3A_1471 : vector<128x1xf32> to vector<128x1xf32>
    %broadcast_in_dim3A_1478 = vector.broadcast %broadcast_in_dim3A_1477 : vector<128x1xf32> to vector<128x64xf32>
    %concatenate3A_1479 = tpu.concatenate %broadcast_in_dim3A_1476, %broadcast_in_dim3A_1478 in 1 : vector<128x64xf32>, vector<128x64xf32> -> vector<128x128xf32>
    %slice3A_1480 = vector.extract_strided_slice %get3A_1 {offsets = [12544, 0], sizes = [128, 128], strides = [1, 1]} : vector<12800x128xf32> to vector<128x128xf32>
    %mul3A_1481 = arith.mulf %slice3A_1480, %concatenate3A_1479 : vector<128x128xf32>
    %get3A_1482 = arith.constant 0 : index
    %get3A_1483 = arith.constant 0 : index
    %get3A_1484 = arith.constant 99 : index
    %get3A_1485 = vector.load %arg2[%get3A_1482, %get3A_1483, %get3A_1484] : memref<1x128x100xf32, #tpu.memory_space<vmem>>, vector<1x128x1xf32>
    %get3A_1486 = vector.shape_cast %get3A_1485 : vector<1x128x1xf32> to vector<128x1xf32>
    %sub3A_1487 = arith.constant 1.000000e+00 : f32
    %sub3A_1488 = vector.broadcast %sub3A_1487 : f32 to vector<128x1xf32>
    %sub3A_1489 = arith.subf %sub3A_1488, %get3A_1486 : vector<128x1xf32>
    %broadcast_in_dim3A_1490 = vector.shape_cast %sub3A_1489 : vector<128x1xf32> to vector<128x1xf32>
    %broadcast_in_dim3A_1491 = vector.broadcast %broadcast_in_dim3A_1490 : vector<128x1xf32> to vector<128x64xf32>
    %broadcast_in_dim3A_1492 = vector.shape_cast %get3A_1486 : vector<128x1xf32> to vector<128x1xf32>
    %broadcast_in_dim3A_1493 = vector.broadcast %broadcast_in_dim3A_1492 : vector<128x1xf32> to vector<128x64xf32>
    %concatenate3A_1494 = tpu.concatenate %broadcast_in_dim3A_1491, %broadcast_in_dim3A_1493 in 1 : vector<128x64xf32>, vector<128x64xf32> -> vector<128x128xf32>
    %slice3A_1495 = vector.extract_strided_slice %get3A_1 {offsets = [12672, 0], sizes = [128, 128], strides = [1, 1]} : vector<12800x128xf32> to vector<128x128xf32>
    %mul3A_1496 = arith.mulf %slice3A_1495, %concatenate3A_1494 : vector<128x128xf32>
    %concatenate3A_1497 = tpu.concatenate %mul3A, %mul3A_26, %mul3A_41, %mul3A_56, %mul3A_71, %mul3A_86, %mul3A_101, %mul3A_116, %mul3A_131, %mul3A_146, %mul3A_161, %mul3A_176, %mul3A_191, %mul3A_206, %mul3A_221, %mul3A_236, %mul3A_251, %mul3A_266, %mul3A_281, %mul3A_296, %mul3A_311, %mul3A_326, %mul3A_341, %mul3A_356, %mul3A_371, %mul3A_386, %mul3A_401, %mul3A_416, %mul3A_431, %mul3A_446, %mul3A_461, %mul3A_476, %mul3A_491, %mul3A_506, %mul3A_521, %mul3A_536, %mul3A_551, %mul3A_566, %mul3A_581, %mul3A_596, %mul3A_611, %mul3A_626, %mul3A_641, %mul3A_656, %mul3A_671, %mul3A_686, %mul3A_701, %mul3A_716, %mul3A_731, %mul3A_746, %mul3A_761, %mul3A_776, %mul3A_791, %mul3A_806, %mul3A_821, %mul3A_836, %mul3A_851, %mul3A_866, %mul3A_881, %mul3A_896, %mul3A_911, %mul3A_926, %mul3A_941, %mul3A_956, %mul3A_971, %mul3A_986, %mul3A_1001, %mul3A_1016, %mul3A_1031, %mul3A_1046, %mul3A_1061, %mul3A_1076, %mul3A_1091, %mul3A_1106, %mul3A_1121, %mul3A_1136, %mul3A_1151, %mul3A_1166, %mul3A_1181, %mul3A_1196, %mul3A_1211, %mul3A_1226, %mul3A_1241, %mul3A_1256, %mul3A_1271, %mul3A_1286, %mul3A_1301, %mul3A_1316, %mul3A_1331, %mul3A_1346, %mul3A_1361, %mul3A_1376, %mul3A_1391, %mul3A_1406, %mul3A_1421, %mul3A_1436, %mul3A_1451, %mul3A_1466, %mul3A_1481, %mul3A_1496 in 0 : vector<128x128xf32>, vector<128x128xf32>, vector<128x128xf32>, vector<128x128xf32>, vector<128x128xf32>, vector<128x128xf32>, vector<128x128xf32>, vector<128x128xf32>, vector<128x128xf32>, vector<128x128xf32>, vector<128x128xf32>, vector<128x128xf32>, vector<128x128xf32>, vector<128x128xf32>, vector<128x128xf32>, vector<128x128xf32>, vector<128x128xf32>, vector<128x128xf32>, vector<128x128xf32>, vector<128x128xf32>, vector<128x128xf32>, vector<128x128xf32>, vector<128x128xf32>, vector<128x128xf32>, vector<128x128xf32>, vector<128x128xf32>, vector<128x128xf32>, vector<128x128xf32>, vector<128x128xf32>, vector<128x128xf32>, vector<128x128xf32>, vector<128x128xf32>, vector<128x128xf32>, vector<128x128xf32>, vector<128x128xf32>, vector<128x128xf32>, vector<128x128xf32>, vector<128x128xf32>, vector<128x128xf32>, vector<128x128xf32>, vector<128x128xf32>, vector<128x128xf32>, vector<128x128xf32>, vector<128x128xf32>, vector<128x128xf32>, vector<128x128xf32>, vector<128x128xf32>, vector<128x128xf32>, vector<128x128xf32>, vector<128x128xf32>, vector<128x128xf32>, vector<128x128xf32>, vector<128x128xf32>, vector<128x128xf32>, vector<128x128xf32>, vector<128x128xf32>, vector<128x128xf32>, vector<128x128xf32>, vector<128x128xf32>, vector<128x128xf32>, vector<128x128xf32>, vector<128x128xf32>, vector<128x128xf32>, vector<128x128xf32>, vector<128x128xf32>, vector<128x128xf32>, vector<128x128xf32>, vector<128x128xf32>, vector<128x128xf32>, vector<128x128xf32>, vector<128x128xf32>, vector<128x128xf32>, vector<128x128xf32>, vector<128x128xf32>, vector<128x128xf32>, vector<128x128xf32>, vector<128x128xf32>, vector<128x128xf32>, vector<128x128xf32>, vector<128x128xf32>, vector<128x128xf32>, vector<128x128xf32>, vector<128x128xf32>, vector<128x128xf32>, vector<128x128xf32>, vector<128x128xf32>, vector<128x128xf32>, vector<128x128xf32>, vector<128x128xf32>, vector<128x128xf32>, vector<128x128xf32>, vector<128x128xf32>, vector<128x128xf32>, vector<128x128xf32>, vector<128x128xf32>, vector<128x128xf32>, vector<128x128xf32>, vector<128x128xf32>, vector<128x128xf32>, vector<128x128xf32> -> vector<12800x128xf32>
    %get3A_1498 = arith.constant 0 : index
    %get3A_1499 = arith.constant 0 : index
    %get3A_1500 = vector.load %arg3[%get3A_1498, %get3A_1499] : memref<128x64xf32, #tpu.memory_space<vmem>>, vector<128x64xf32>
    %dot_general3A = arith.constant dense<0.000000e+00> : vector<12800x64xf32>
    %dot_general3A_1501 = tpu.matmul %concatenate3A_1497, %get3A_1500, %dot_general3A {dimension_numbers = #tpu.dot_dimension_numbers<[1], [0], [0], [1], [0, 0, 1, 1], [], []>, transpose_lhs_hint = false} : vector<12800x128xf32>, vector<128x64xf32>, vector<12800x64xf32> -> vector<12800x64xf32>
    %reshape3A = vector.shape_cast %dot_general3A_1501 : vector<12800x64xf32> to vector<256x50x64xf32>
    %swap3A = arith.constant 0 : index
    %swap3A_1502 = arith.constant 0 : index
    %swap3A_1503 = arith.constant 0 : index
    %swap3A_1504 = vector.load %arg4[%swap3A, %swap3A_1502, %swap3A_1503] : memref<256x50x64xf32, #tpu.memory_space<vmem>>, vector<256x50x64xf32>
    tpu.vector_store %arg4[%swap3A, %swap3A_1502, %swap3A_1503], %reshape3A {strides = array<i32>} : memref<256x50x64xf32, #tpu.memory_space<vmem>>, vector<256x50x64xf32>,
    return
  }
  func.func @transform_0(%arg0: i32) -> (i32, i32) {
    %c0_i32 = arith.constant 0 : i32
    %c0_i32_0 = arith.constant 0 : i32
    return %arg0, %c0_i32 : i32, i32
  }
  func.func @transform_1(%arg0: i32) -> (i32, i32, i32) {
    %c0_i32 = arith.constant 0 : i32
    %c0_i32_0 = arith.constant 0 : i32
    %c0_i32_1 = arith.constant 0 : i32
    return %arg0, %c0_i32, %c0_i32_0 : i32, i32, i32
  }
  func.func @transform_2(%arg0: i32) -> (i32, i32) {
    %c0_i32 = arith.constant 0 : i32
    %c0_i32_0 = arith.constant 0 : i32
    %c0_i32_1 = arith.constant 0 : i32
    return %c0_i32, %c0_i32_0 : i32, i32
  }
  func.func @transform_3(%arg0: i32) -> (i32, i32, i32) {
    %c0_i32 = arith.constant 0 : i32
    %c0_i32_0 = arith.constant 0 : i32
    %c0_i32_1 = arith.constant 0 : i32
    return %arg0, %c0_i32, %c0_i32_0 : i32, i32, i32
  }
}

</mosaic_0001>

<sc_bundles>
// kernel: kernel.5.cloned.1.call-start
scs
__scs_entry_jumppad:
0x0: {  	(pc) =	sbr.rel $0x88, $3  }
0x1: {  	(tag) =	ssettag $0x0;
	lr =	simm.s32 $0x1  }
0x2: {  	[smem:$0x3F9D] =	sst lr;
	_ =	strace $0xD0000000  }
0x3: {  	_ = 	snop  }
0x4: {  	_ = 	snop  }
0x5: {  	_ = 	snop  }
0x6: {  	_ = 	snop  }
0x7: {  	_ = 	snop  }
__scs_overlays_trampoline_lowered:
0x8: {  	[smem:$0x3FAC] =	sst s0  }
0x9: {  	[smem:$0x3FAD] =	sst s1  }
0xa: {  	[smem:$0x3FAE] =	sst s2  }
0xb: {  	[smem:$0x3FAF] =	sst s3  }
0xc: {  	[smem:$0x3FB0] =	sst s4  }
0xd: {  	[smem:$0x3FB1] =	sst s5  }
0xe: {  	[smem:$0x3FB2] =	sst s6  }
0xf: {  	[smem:$0x3FB3] =	sst s7  }
0x10: {  	[smem:$0x3FB4] =	sst s8  }
0x11: {  	[smem:$0x3FB5] =	sst s9;
	s0 =	simm.s32 @!p0 $0x0  }
0x12: {  	s1 =	sld [smem:$0x3F9B];
	s0 =	simm.s32 @p0 $0x1  }
0x13: {  	[smem:$0x3FB6] =	sst s0;
	s0 =	simm.s32 @!p1 $0x0  }
0x14: {  	s2 =	sld [smem:$0x3F9A];
	s0 =	simm.s32 @p1 $0x1  }
0x15: {  	[smem:$0x3FB7] =	sst s0;
	s0 =	simm.s32 @!p2 $0x0  }
0x16: {  	s3 =	sld [smem:$0x3FDB];
	s0 =	simm.s32 @p2 $0x1  }
0x17: {  	s4 =	simm.s32 $0x1BF5;
	[smem:$0x3FB9] =	sst s0  }
0x18: {  	s0 =	sld [smem:$0x3F9C];
	_ =	swait.ge [sflag:s4], $0x0  }
0x19: {  	s7 =	sld [smem:$0x3F9D]  }
0x1a: {  	s8 =	sadd.s32 $0xFFFFE003, lr  }
0x1b: {  	s9 =	sadd.s32 $0xFFFFFEF7, lr;
	s5 =	simm.s32 $0xFFFFFFFF;
	p2 =	slt.u32 s8, $0xFFFFF086  }
0x1c: {  	p1 =	slt.u32 s9, $0xF7A;
	s5 =	simm.s32 @!p2 $0x0  }
0x1d: {  	s5 =	simm.s32 @p1 $0x1;
	p0 =	seq.s32 s7, s2  }
0x1e: {  	s7 =	smul.u32 @!p0 $0xF7A, s2;
	p2 =	seq.s32 @!p0 s5, $0x0  }
0x1f: {  	s9 =	smul.u32 $0xF7A, s1;
	s8 =	simm.s32 @!p0 $0x1BF5;
	p2 =	por !p2, p0  }
0x20: {  	[sflag:s8] =	ssyncset.s32 @!p0 $0xFFFFF086;
	s6 =	sadd.s32 @!p0 s3, s7;
	s7 =	simm.s32 @!p0 $0x108  }
0x21: {  	s3 =	sadd.s32 s3, s9;
	s6 =	sadd.s32 @!p0 $0x88, s6;
	s7 =	simm.s32 @p2 $0x1082  }
0x22: {  	[simem:s7], [sflag:s8] =	dma.local @!p0 [hbm:s6], $0xF7A  }
0x23: {  	s9 =	sor.u32 $0xD0000000, s2;
	s6 =	simm.s32 $0x108;
	_ =	swait.ge @!p0 [sflag:s8], $0x0  }
0x24: {  	s3 =	sadd.s32 $0x88, s3;
	s6 =	simm.s32 @!p1 $0x1082;
	[sflag:s4] =	ssyncset.s32 $0xFFFFF086  }
0x25: {  	[simem:s6], [sflag:s4] =	dma.local [hbm:s3], $0xF7A  }
0x26: {  	[smem:$0x3F9D] =	sst s1;
	(tag) =	ssettag s2;
	_ =	strace s9  }
0x27: {  	s1 =	sld [smem:$0x3FAD]  }
0x28: {  	s2 =	sld [smem:$0x3FAE]  }
0x29: {  	s4 =	sld [smem:$0x3FB0]  }
0x2a: {  	p0 =	seq.s32 s5, $0x0;
	s5 =	sld [smem:$0x3FB1]  }
0x2b: {  	s6 =	sld [smem:$0x3FB2]  }
0x2c: {  	s7 =	sld [smem:$0x3FB3]  }
0x2d: {  	s3 =	simm.s32 $0x108;
	s8 =	sld [smem:$0x3FB4]  }
0x2e: {  	s3 =	simm.s32 @!p0 $0x1082;
	s9 =	sld [smem:$0x3FB5]  }
0x2f: {  	lr =	sadd.s32 s0, s3;
	s0 =	sld [smem:$0x3FAC]  }
0x30: {  	s3 =	sld [smem:$0x3FAF]  }
0x31: {  	[smem:$0x3FB8] =	sst s10  }
0x32: {  	s10 =	sld [smem:$0x3FB6];
	_ =	sdelay $0x3  }
0x33: {  	p0 =	seq.s32 s10, $0x1;
	s10 =	sld [smem:$0x3FB8];
	_ =	sdelay $0x3  }
0x34: {  	[smem:$0x3FB8] =	sst s10  }
0x35: {  	s10 =	sld [smem:$0x3FB7];
	_ =	sdelay $0x3  }
0x36: {  	p1 =	seq.s32 s10, $0x1;
	s10 =	sld [smem:$0x3FB8];
	_ =	sdelay $0x3  }
0x37: {  	[smem:$0x3FB8] =	sst s10  }
0x38: {  	s10 =	sld [smem:$0x3FB9]  }
0x39: {  	_ = 	snop;
	(pc) =	sbr.ind lr, $3  }
0x3a: {  	_ = 	snop  }
0x3b: {  	_ = 	snop  }
0x3c: {  	p2 =	seq.s32 s10, $0x1;
	s10 =	sld [smem:$0x3FB8]  }
0x3d: {  	_ =	shalt  }
0x3e: {  	_ =	shalt  }
0x3f: {  	_ =	shalt  }
0x40: {  	_ =	shalt  }
0x41: {  	_ =	shalt  }
0x42: {  	_ =	shalt  }
0x43: {  	_ =	shalt  }
0x44: {  	_ =	shalt  }
0x45: {  	_ =	shalt  }
0x46: {  	_ =	shalt  }
0x47: {  	_ =	shalt  }
0x48: {  	_ =	shalt  }
0x49: {  	_ =	shalt  }
0x4a: {  	_ =	shalt  }
0x4b: {  	_ =	shalt  }
0x4c: {  	_ =	shalt  }
0x4d: {  	_ =	shalt  }
0x4e: {  	_ =	shalt  }
0x4f: {  	_ =	shalt  }
0x50: {  	_ =	shalt  }
0x51: {  	_ =	shalt  }
0x52: {  	_ =	shalt  }
0x53: {  	_ =	shalt  }
0x54: {  	_ =	shalt  }
0x55: {  	_ =	shalt  }
0x56: {  	_ =	shalt  }
0x57: {  	_ =	shalt  }
0x58: {  	_ =	shalt  }
0x59: {  	_ =	shalt  }
0x5a: {  	_ =	shalt  }
0x5b: {  	_ =	shalt  }
0x5c: {  	_ =	shalt  }
0x5d: {  	_ =	shalt  }
0x5e: {  	_ =	shalt  }
0x5f: {  	_ =	shalt  }
0x60: {  	_ =	shalt  }
0x61: {  	_ =	shalt  }
0x62: {  	_ =	shalt  }
0x63: {  	_ =	shalt  }
0x64: {  	_ =	shalt  }
0x65: {  	_ =	shalt  }
0x66: {  	_ =	shalt  }
0x67: {  	_ =	shalt  }
0x68: {  	_ =	shalt  }
0x69: {  	_ =	shalt  }
0x6a: {  	_ =	shalt  }
0x6b: {  	_ =	shalt  }
0x6c: {  	_ =	shalt  }
0x6d: {  	_ =	shalt  }
0x6e: {  	_ =	shalt  }
0x6f: {  	_ =	shalt  }
0x70: {  	_ =	shalt  }
0x71: {  	_ =	shalt  }
0x72: {  	_ =	shalt  }
0x73: {  	_ =	shalt  }
0x74: {  	_ =	shalt  }
0x75: {  	_ =	shalt  }
0x76: {  	_ =	shalt  }
0x77: {  	_ =	shalt  }
0x78: {  	_ =	shalt  }
0x79: {  	_ =	shalt  }
0x7a: {  	_ =	shalt  }
0x7b: {  	_ =	shalt  }
0x7c: {  	_ =	shalt  }
0x7d: {  	_ =	shalt  }
0x7e: {  	_ =	shalt  }
0x7f: {  	_ =	shalt  }
0x80: {  	_ =	shalt  }
0x81: {  	_ =	shalt  }
0x82: {  	_ =	shalt  }
0x83: {  	_ =	shalt  }
0x84: {  	_ =	shalt  }
0x85: {  	_ =	shalt  }
0x86: {  	_ =	shalt  }
0x87: {  	_ =	shalt  }
.Lfunc_end0:
.L_simem_size_0:
called_computation_lowered:
.L_overlay_start_0:
0x88: {  	s2 =	sld [smem:$0x3FD9]  }
0x89: {  	s3 =	sld [smem:$0x3FFE];
	_ =	sdelay $0x1  }
0x8a: {  	s1 =	srdreg.scid  }
0x8b: {  	s0 =	sand.u32 $0x1, s1  }
0x8c: {  	s16 =	sshll.u32 s0, $0xA;
	s2 =	sadd.s32 s3, s2  }
0x8d: {  	s2 =	sadd.s32 s2, s16  }
0x8e: {  	[smem:$0x3FC4] =	sst s2  }
0x8f: {  	_ = 	snop  }
0x90: {  	(tm) =	ssettm $0x1  }
0x91: {  	s17 =	sld [smem:$0x3FFB];
	_ =	sdelay $0x3  }
0x92: {  	_ =	strace s17  }
0x93: {  	s2 =	sld [smem:$0x3FFC];
	_ =	sdelay $0x3  }
0x94: {  	_ =	strace s2  }
0x95: {  	s2 =	sld [smem:$0x3FFD];
	_ =	sdelay $0x3  }
0x96: {  	_ =	strace s2  }
0x97: {  	_ =	strace $0x8FFFFFFF  }
0x98: {  	s18 =	sld [smem:$0x3FDB];
	_ =	sdelay $0x1  }
0x99: {  	s19 =	simm.s32 $_scs_section_size  }
0x9a: {  	s4 =	simm.s32 $_size__tile_overlayer_lowered;
	s5 =	simm.s32 $_tile_overlayer_lowered  }
0x9b: {  	s22 =	simm.s32 $0x1BFF;
	s21 =	sshll.u32 s5, $0x1;
	s2 =	sadd.s32 s19, s18  }
0x9c: {  	s6 =	simm.s32 $0x0;
	s20 =	sshll.u32 s4, $0x1;
	s4 =	sadd.s32 s21, s2  }
0x9d: {  	[timem:s6], [sflag:s22] =	dma.local [hbm:s4], s20  }
0x9e: {  	_ =	swait.ge [sflag:s22], s20  }
0x9f: {  	s3 =	ssub.s32 $0x0, s20;
	[sflag:s22] =	ssyncset.done $0x0  }
0xa0: {  	[sflag:s22] =	ssyncadd.s32 s3;
	_ =	sdelay $0x1  }
0xa1: {  	s23 =	simm.s32 $0x1B8B  }
0xa2: {  	_ =	swait.ge [sflag:s23], $0x1  }
0xa3: {  	[sflag:s23] =	ssyncset.done $0x0  }
0xa4: {  	s25 =	simm.s32 $0x1B8E;
	s24 =	sld [smem:$0x3FFE];
	[sflag:s23] =	ssyncadd.s32 $0xFFFFFFFF  }
0xa5: {  	s26 =	simm.s32 $execute0_lowered;
	[smem:$0x3FD2] =	sst s25  }
0xa6: {  	s4 =	sshll.u32 s26, $0x1;
	_ =	strace $0x80000046;
	[dreg:$0x1] =	wrdreg $0xFFFFFFFF  }
0xa7: {  	s28 =	simm.s32 $_size_execute0_lowered;
	s2 =	sadd.s32 s2, s4;
	[dreg:$0x0] =	wrdreg $0x0  }
0xa8: {  	s4 =	sshll.u32 s28, $0x1;
	[dreg:$0x2] =	wrdreg s2  }
0xa9: {  	[dreg:$0x3] =	wrdreg s4  }
0xaa: {  	[dreg:$0x4] =	wrdreg $0xC0  }
0xab: {  	_ =	task [dreg:s6], $0x5FFFF  }
0xac: {  	[dreg:$0x1] =	wrdreg $0xFFFFFFFF  }
0xad: {  	[dreg:$0x0] =	wrdreg $0x60  }
0xae: {  	[dreg:$0x2] =	wrdreg s24  }
0xaf: {  	[dreg:$0x3] =	wrdreg $0x9  }
0xb0: {  	_ =	task.clear_ibuf [dreg:s6], $0x4FFFF;
	_ =	strace $0x90000046  }
0xb1: {  	s29 =	simm.s32 $0x9;
	_ =	strace $0x8000004F  }
0xb2: {  	_ =	swait.ge [sflag:s29], $0x1  }
0xb3: {  	[sflag:s29] =	ssyncadd.s32 $0xFFFFFFFF  }
0xb4: {  	_ =	strace $0x9000004F  }
0xb5: {  	_ =	sfence  }
0xb6: {  	s30 =	sld [smem:$0x0];
	_ =	sdelay $0x2  }
0xb7: {  	s31 =	sshll.u32 s1, $0xD;
	s1 =	sshrl.u32 s1, $0x2  }
0xb8: {  	s3 =	sand.u32 $0x4000, s31;
	s1 =	sadd.s32 s1, s30  }
0xb9: {  	s0 =	sor.u32 s3, s0;
	s1 =	sshll.u32 s1, $0x11  }
0xba: {  	s0 =	sor.u32 s1, s0  }
0xbb: {  	s0 =	sadd.s32 $0x8F2B, s0  }
0xbc: {  	[sflag:s0] =	ssyncadd.remote.s32 $0x1  }
0xbd: {  	_ =	sfence.sel $0xFFFF  }
0xbe: {  	[dreg:$0x0] =	wrdreg $0xFFFFFFFF;
	(pc) =	sbr.abs _section_cstart, $3  }
0xbf: {  	[dreg:$0x1] =	wrdreg $0xFFFFFFFF  }
0xc0: {  	_ =	task.clear_ibuf [dreg:s6], $0x2FFFF;
	_ =	strace $0x9FFFFFFF  }
0xc1: {  	(tm) =	ssettm $0x7FFFFFFF  }
tec
execute0_lowered:
.L_overlay_start_1:
0x0: {  	(tag) =	ssettag $0x1  }
0x1: {  	s3 =	rddreg [dreg:$0x0]  }
0x2: {  	s0 =	rddreg [dreg:$0x1];
	s1 =	simm.s32 $0x0;
	s2 =	srdreg.scid  }
0x3: {  	s31 =	simm.s32 $0x100;
	s9 =	simm.s32 $0x3;
	s10 =	simm.s32 $0x0  }
0x4: {  	[smem:$0x7FF] =	sst s1;
	s4 =	sand.u32 $0x1, s2;
	s5 =	sadd.s32 $0xF43200, s3  }
0x5: {  	s2 =	stileid.u32;
	s29 =	sadd.s32 $0x7200, s3;
	s3 =	sadd.s32 $0xE00, s3  }
0x6: {  	_ =	strace $0x80000047;
	s6 =	sshll.u32 s4, $0x4;
	[dreg:$0x2] =	wrdreg s5  }
0x7: {  	s4 =	ssub.s32 $0x2, s4;
	[dreg:$0x4] =	wrdreg s29;
	s28 =	sor.u32 s2, s6  }
0x8: {  	[dreg:$0x3] =	wrdreg s31;
	s7 =	sshrl.u32 s4, $0x1;
	s8 =	smul.u32 $0x320, s28  }
0x9: {  	s30 =	ssub.s32 s4, s7;
	s4 =	smul.u32 $0x19, s28;
	s7 =	simm.s32 $0x1  }
0xa: {  	s6 =	smax.u32 s30, $0x1;
	s5 =	sadd.s32 s3, s8;
	s8 =	simm.s32 $0x5  }
.LBB2_1:
0xb: {  	_ =	strace $0x80000048;
	s11 =	simm.s32 $0x1;
	p0 =	por $0x0, $0x0  }
0xc: {  	[tilespmem:s1], [sflag:$0x1] =	stream.linear.gather [hbm4b:s5+s1], $0x100, $0x200038;
	[tilespmem:$0x10200] =	vst v63  }
0xd: {  	s11 =	simm.s32 @p0 $0x0  }
0xe: {  	p4 =	por $0x1, $0x1;
	s20 =	sand.u32 $0x1, s1;
	p1 =	sne.s32 s11, $0x0  }
0xf: {  	p2 =	por $0x1, $0x1;
	s18 =	simm.s32 $0x17;
	p0 =	por !p4, !p1  }
0x10: {  	s16 =	simm.s32 $0x0;
	p5 =	por $0x0, $0x0;
	p0 =	por !p0, !p0  }
0x11: {  	s23 =	sadd.s32 $0x0, s4;
	s30 =	sadd.s32 $0x1, s20;
	s12 =	sadd.s32 @p0 s4, s11  }
0x12: {  	_ =	strace $0x90000048;
	s13 =	sand.u32 @p0 $0x1, s7;
	s12 =	sshll.u32 @p0 s12, $0x5  }
0x13: {  	_ =	strace @p0 $0x80000049;
	s15 =	simm.s32 @p0 $0x0;
	s12 =	sand.u32 @p0 $0x1FFFFFE0, s12  }
0x14: {  	s14 =	sshll.u32 @p0 s13, $0x8;
	s13 =	sadd.s32 @p0 $0x1, s13;
	s12 =	sadd.s32 @p0 s3, s12  }
0x15: {  	[tilespmem:s14], [sflag:s13] =	stream.linear.gather @p0 [hbm4b:s12+s15], $0x100, $0x200038;
	[tilespmem:$0x10200] =	vst v63  }
0x16: {  	p3 =	por p2, p2;
	s21 =	sshll.u32 s20, $0xF;
	_ =	strace @p0 $0x90000049  }
0x17: {  	s16 =	sand.u32 $0x100, s16;
	p2 =	por p5, p5;
	_ =	strace $0x8000004A  }
0x18: {  	s17 =	sadd.s32 $0x1, s11;
	s22 =	sor.u32 $0x200, s21;
	_ =	swait.ge [sflag:s30], $0x100  }
0x19: {  	s21 =	simm.s32 $0x1;
	p6 =	por p1, p1;
	[sflag:s30] =	ssyncset.done $0x0  }
0x1a: {  	p1 =	por p3, p3;
	p4 =	por $0x1, $0x1;
	[sflag:s30] =	ssyncadd.s32 $0xFFFFFF00  }
0x1b: {  	s12 =	simm.s32 $0x18;
	s15 =	sand.u32 @!p3 $0x1, s1;
	_ =	strace $0x9000004A  }
0x1c: {  	s13 =	simm.s32 $0x1;
	p3 =	seq.s32 s17, $0x19;
	_ =	strace $0x8000004B  }
0x1d: {  	s13 =	simm.s32 @!p0 $0x0;
	s17 =	simm.s32 @p3 $0x0;
	s19 =	rddreg [dreg:$0x3]  }
0x1e: {  	p0 =	por $0x0, $0x0;
	s14 =	sadd.s32 $0x1, s13;
	s31 =	rddreg [dreg:$0x2]  }
0x1f: {  	[tilespmem:s22], [sflag:$0x5] =	stream.indirect.gather [hbm4b:s31+s19], $0x80, s16, s19, $0x2000b8;
	[tilespmem:$0x10200] =	vst v63  }
0x20: {  	p3 =	sne.s32 s11, s17;
	s21 =	simm.s32 @!p0 $0x0;
	_ =	swait.ge [sflag:s8], $0x8000  }
0x21: {  	p5 =	por !p4, !p3;
	p4 =	por $0x0, $0x0;
	[sflag:s8] =	ssyncset.done $0x0  }
0x22: {  	s13 =	simm.s32 $0x0;
	p6 =	por p4, p6;
	[sflag:s8] =	ssyncadd.s32 $0xFFFF8000  }
0x23: {  	s16 =	simm.s32 $0x0;
	s19 =	simm.s32 $0x0;
	_ =	strace $0x9000004B  }
.LBB2_2:
0x24: {  	_ =	strace @p6 $0x8000004C;
	s13 =	sadd.s32 s21, s13;
	s21 =	smov.u32 s12  }
0x25: {  	s12 =	smov.u32 s18;
	s18 =	sadd.s32 $0xFFFFFFFF, s18;
	p0 =	por p3, p3  }
0x26: {  	s28 =	sshll.u32 @p6 s23, $0xC;
	s20 =	sadd.s32 @p6 $0x3, s20;
	s24 =	simm.s32 @!p0 $0x0  }
0x27: {  	s25 =	rddreg [dreg:$0x4];
	s28 =	sand.u32 @p6 $0x1FFFF000, s28;
	s24 =	simm.s32 @p0 $0x1  }
0x28: {  	s25 =	sadd.s32 @p6 s25, s28;
	s28 =	simm.s32 @p6 $0x0;
	p0 =	sne.s32 s18, $0x0  }
0x29: {  	[hbm4b:s25+s28] =	stream.linear.scatter @p6 [tilespmem:s22], [sflag:s20], $0x8000, $0x200038;
	[tilespmem:$0x10200] =	vst v63  }
0x2a: {  	s20 =	sadd.s32 @!p1 $0x3, s15;
	s15 =	simm.s32 @!p0 $0x0  }
0x2b: {  	s26 =	simm.s32 $0x1;
	[smem:$0x7FC] =	sst s24;
	s15 =	simm.s32 @p0 $0x1  }
0x2c: {  	s26 =	simm.s32 @!p6 $0x0;
	_ =	strace @p6 $0x9000004C;
	[smem:$0x7FD] =	sst s15  }
0x2d: {  	p5 =	por !p5, !p5;
	s19 =	sadd.s32 s26, s19;
	_ =	strace @!p1 $0x8000004D  }
0x2e: {  	s24 =	sand.u32 @!p2 $0x1, s13;
	s22 =	sand.u32 @p5 $0x1, s14;
	_ =	swait.ge @!p1 [sflag:s20], $0x8000  }
0x2f: {  	s15 =	smov.u32 s24;
	s24 =	sadd.s32 @p5 s4, s17;
	[sflag:s20] =	ssyncset.done @!p1 $0x0  }
0x30: {  	s25 =	sshll.u32 @p5 s22, $0x8;
	s24 =	sshll.u32 @p5 s24, $0x5;
	[sflag:s20] =	ssyncadd.s32 @!p1 $0xFFFF8000  }
0x31: {  	s20 =	sadd.s32 @p5 $0x1, s22;
	s22 =	sand.u32 @p5 $0x1FFFFFE0, s24;
	_ =	strace @!p1 $0x9000004D  }
0x32: {  	s24 =	simm.s32 @p5 $0x0;
	s22 =	sadd.s32 @p5 s3, s22;
	_ =	strace @p5 $0x80000049  }
0x33: {  	[tilespmem:s25], [sflag:s20] =	stream.linear.gather @p5 [hbm4b:s22+s24], $0x100, $0x200038;
	[tilespmem:$0x10200] =	vst v63  }
0x34: {  	s16 =	sadd.s32 s26, s16;
	s26 =	sand.u32 $0x1, s19;
	_ =	strace @p5 $0x90000049  }
0x35: {  	s24 =	sadd.s32 $0x1, s26;
	_ =	strace $0x8000004A  }
0x36: {  	_ =	swait.ge [sflag:s24], $0x100  }
0x37: {  	[sflag:s24] =	ssyncset.done $0x0  }
0x38: {  	s20 =	simm.s32 $0x1;
	[sflag:s24] =	ssyncadd.s32 $0xFFFFFF00  }
0x39: {  	s20 =	simm.s32 @!p5 $0x0;
	_ =	strace $0x9000004A  }
0x3a: {  	s14 =	sadd.s32 s20, s14;
	s20 =	sand.u32 $0x1, s16;
	_ =	strace $0x8000004B  }
0x3b: {  	s29 =	sshll.u32 s19, $0x8;
	s25 =	sshll.u32 s20, $0xF;
	s26 =	rddreg [dreg:$0x3]  }
0x3c: {  	s29 =	sand.u32 $0x100, s29;
	s22 =	sor.u32 $0x200, s25;
	s30 =	rddreg [dreg:$0x2]  }
0x3d: {  	[tilespmem:s22], [sflag:$0x5] =	stream.indirect.gather [hbm4b:s30+s26], $0x80, s29, s26, $0x2000b8;
	[tilespmem:$0x10200] =	vst v63  }
0x3e: {  	_ =	swait.ge [sflag:s8], $0x8000  }
0x3f: {  	s31 =	sadd.s32 $0x1, s17;
	[sflag:s8] =	ssyncset.done $0x0  }
0x40: {  	s23 =	sadd.s32 s4, s11;
	s11 =	smov.u32 s17;
	[sflag:s8] =	ssyncadd.s32 $0xFFFF8000  }
0x41: {  	p3 =	seq.s32 s31, $0x19;
	s17 =	smov.u32 s31;
	_ =	strace $0x9000004B  }
0x42: {  	s17 =	simm.s32 @p3 $0x0;
	s31 =	sld [smem:$0x7FD]  }
0x43: {  	p6 =	sne.s32 s12, $0x1;
	p0 =	sne.s32 s21, $0x19;
	p3 =	sne.s32 s11, s17  }
0x44: {  	p5 =	por !p6, !p3;
	p6 =	seq.s32 s21, $0x1;
	s21 =	simm.s32 $0x1  }
0x45: {  	s21 =	simm.s32 @!p0 $0x0;
	p0 =	seq.s32 s31, $0x1  }
.Ltmp0:
0x46: {  	s30 =	sld [smem:$0x7FC];
	(pc) =	sbr.rel @p0 .LBB2_2-.Ltmp0, $4  }
0x47: {  	_ = 	snop  }
0x48: {  	p4 =	seq.s32 s12, $0x19  }
0x49: {  	p1 =	por p2, p2;
	p2 =	por p4, p4;
	p4 =	seq.s32 s30, $0x1  }
0x4a: {  	p6 =	por p6, p4  }
0x4b: {  	_ =	strace @p6 $0x8000004C;
	s23 =	sshll.u32 @p6 s23, $0xC  }
0x4c: {  	s18 =	rddreg [dreg:$0x4];
	s23 =	sand.u32 @p6 $0x1FFFF000, s23  }
0x4d: {  	s20 =	sadd.s32 @p6 $0x3, s20;
	s18 =	sadd.s32 @p6 s18, s23;
	s23 =	simm.s32 @p6 $0x0  }
0x4e: {  	[hbm4b:s18+s23] =	stream.linear.scatter @p6 [tilespmem:s22], [sflag:s20], $0x8000, $0x200038;
	[tilespmem:$0x10200] =	vst v63  }
0x4f: {  	p0 =	por !p5, !p5;
	_ =	strace @p6 $0x9000004C  }
0x50: {  	s15 =	sadd.s32 @!p1 $0x3, s15;
	s17 =	sadd.s32 @p0 s4, s17;
	_ =	strace @!p1 $0x8000004D  }
0x51: {  	s14 =	sand.u32 @p0 $0x1, s14;
	s17 =	sshll.u32 @p0 s17, $0x5;
	_ =	swait.ge @!p1 [sflag:s15], $0x8000  }
0x52: {  	s18 =	simm.s32 $0x1;
	s20 =	sshll.u32 @p0 s14, $0x8;
	[sflag:s15] =	ssyncset.done @!p1 $0x0  }
0x53: {  	s14 =	sadd.s32 @p0 $0x1, s14;
	s18 =	simm.s32 @!p6 $0x0;
	[sflag:s15] =	ssyncadd.s32 @!p1 $0xFFFF8000  }
0x54: {  	s19 =	sadd.s32 s18, s19;
	s15 =	sand.u32 @p0 $0x1FFFFFE0, s17;
	_ =	strace @!p1 $0x9000004D  }
0x55: {  	s17 =	simm.s32 @p0 $0x0;
	s15 =	sadd.s32 @p0 s3, s15;
	_ =	strace @p0 $0x80000049  }
0x56: {  	[tilespmem:s20], [sflag:s14] =	stream.linear.gather @p0 [hbm4b:s15+s17], $0x100, $0x200038;
	[tilespmem:$0x10200] =	vst v63  }
0x57: {  	s25 =	sand.u32 $0x1, s19;
	_ =	strace @p0 $0x90000049  }
0x58: {  	s14 =	sadd.s32 $0x1, s25;
	_ =	strace $0x8000004A  }
0x59: {  	_ =	swait.ge [sflag:s14], $0x100  }
0x5a: {  	[sflag:s14] =	ssyncset.done $0x0  }
0x5b: {  	[sflag:s14] =	ssyncadd.s32 $0xFFFFFF00  }
0x5c: {  	s26 =	sadd.s32 s18, s16;
	_ =	strace $0x9000004A  }
0x5d: {  	s14 =	sand.u32 $0x1, s26;
	_ =	strace $0x8000004B  }
0x5e: {  	s30 =	sshll.u32 s19, $0x8;
	s31 =	sshll.u32 s14, $0xF;
	s28 =	rddreg [dreg:$0x3]  }
0x5f: {  	s17 =	sand.u32 $0x100, s30;
	s18 =	sor.u32 $0x200, s31;
	s29 =	rddreg [dreg:$0x2]  }
0x60: {  	[tilespmem:s18], [sflag:$0x5] =	stream.indirect.gather [hbm4b:s29+s28], $0x80, s17, s28, $0x2000b8;
	[tilespmem:$0x10200] =	vst v63  }
0x61: {  	_ =	swait.ge [sflag:s8], $0x8000  }
0x62: {  	[sflag:s8] =	ssyncset.done $0x0  }
0x63: {  	p5 =	por p3, p3;
	p6 =	seq.s32 s12, $0x1;
	[sflag:s8] =	ssyncadd.s32 $0xFFFF8000  }
0x64: {  	s11 =	sadd.s32 s4, s11;
	p0 =	por p6, p5;
	_ =	strace $0x9000004B  }
0x65: {  	s11 =	sshll.u32 @p0 s11, $0xC;
	_ =	strace @p0 $0x8000004C  }
0x66: {  	s13 =	sadd.s32 s21, s13;
	s11 =	sand.u32 @p0 $0x1FFFF000, s11;
	s12 =	rddreg [dreg:$0x4]  }
0x67: {  	s14 =	sadd.s32 @p0 $0x3, s14;
	s11 =	sadd.s32 @p0 s12, s11;
	s12 =	simm.s32 @p0 $0x0  }
0x68: {  	[hbm4b:s11+s12] =	stream.linear.scatter @p0 [tilespmem:s18], [sflag:s14], $0x8000, $0x200038;
	[tilespmem:$0x10200] =	vst v63  }
0x69: {  	p1 =	por p2, p2;
	s11 =	sand.u32 @!p2 $0x1, s13;
	_ =	strace @p0 $0x9000004C  }
0x6a: {  	s11 =	sadd.s32 @!p1 $0x3, s11;
	_ =	strace @!p1 $0x8000004D  }
0x6b: {  	_ =	swait.ge @!p1 [sflag:s11], $0x8000  }
0x6c: {  	[sflag:s11] =	ssyncset.done @!p1 $0x0  }
0x6d: {  	s10 =	sadd.s32 $0x1, s10;
	[sflag:s11] =	ssyncadd.s32 @!p1 $0xFFFF8000  }
0x6e: {  	p0 =	sne.s32 s10, s6;
	_ =	strace @!p1 $0x9000004D  }
.Ltmp1:
0x6f: {  	_ =	strace $0x8000004E;
	(pc) =	sbr.rel @p0 .LBB2_1-.Ltmp1, $4  }
0x70: {  	_ =	swait.ge [sflag:s9], $0x8000  }
0x71: {  	[sflag:s9] =	ssyncset.done $0x0  }
0x72: {  	[sflag:s9] =	ssyncadd.s32 $0xFFFF8000  }
0x73: {  	_ =	strace $0x9000004E  }
0x74: {  	_ =	sfence.sel $0x180000  }
0x75: {  	[bflag:$0x0] =	sbarrier.arrive $0xFFFF  }
0x76: {  	p0 =	sne.s32 s2, $0x0;
	_ =	strace $0x90000047  }
0x77: {  	s0 =	sadd.s32 @!p0 $0x100000, s0;
	[bflag:$0x2] =	sbarrier.arrive $0xFFFF  }
0x78: {  	[sflag:s0] =	ssyncadd.tile.s32 @!p0 $0x1;
	_ =	shalt  }
.Lfunc_end2:
_tile_overlayer_lowered:
.L_overlay_start_2:
0x79: {  	(tag) =	ssettag $0x2  }
0x7a: {  	s0 =	rddreg [dreg:$0x0];
	s2 =	stileid.u32  }
0x7b: {  	s1 =	rddreg [dreg:$0x1];
	p0 =	sne.s32 s2, $0x0  }
0x7c: {  	s3 =	rddreg [dreg:$0x2];
	[bflag:$0x3] =	sbarrier.arrive $0xFFFF;
	s2 =	simm.s32 @!p0 $0x1C01  }
0x7d: {  	[timem:s3], [sflag:s2] =	dma.local @!p0 [hbm:s0], s1  }
0x7e: {  	s0 =	simm.s32 @!p0 $0x1  }
0x7f: {  	_ =	swait.ge @!p0 [sflag:s0], s1  }
0x80: {  	s1 =	ssub.s32 @!p0 $0x0, s1;
	[sflag:s0] =	ssyncset.done @!p0 $0x0  }
0x81: {  	[sflag:s0] =	ssyncadd.s32 @!p0 s1  }
0x82: {  	[bflag:$0x3] =	sbarrier.arrive $0xFFFF  }
0x83: {  	_ =	shalt  }

</sc_bundles>
